<compile_context>
chip_gen: v7x
topology: tpu7x:2x2x1
jax: 0.10.2.dev20260603
libtpu: 0.0.44.dev20260713+nightly
codegen_flags: <defaults>
</compile_context>

<pallas_src>
import jax
import jax.numpy as jnp
from jax import lax
from jax.experimental import pallas as pl
from jax.experimental.pallas import tpu as pltpu
from jax.experimental.pallas import tpu_sc as plsc

_NC = 2
_NS = 16
_NW = _NC * _NS

_BATCH = 16384
_HIST = 50
_HID = 16
_OUT = 64

_TOKENS = _BATCH * _HIST
_BPW = _TOKENS // _NW
_CHUNK = 3200
_NCHUNK = _BPW // _CHUNK


_CBW = _BATCH // 128 // _NW
_HCH = 64 * _HIST


def _gather_body(table_hbm, idx_hbm, emb_hbm, idx_v, rows_v, rpk_v, sem):
    wid = lax.axis_index("s") * _NC + lax.axis_index("c")

    def step(it, carry):
        j = it // 2
        half = it % 2
        cb = wid * _CBW + j
        off = pl.multiple_of(cb * 2 * _HCH, 8)

        @pl.when(half == 0)
        def _():
            pltpu.sync_copy(idx_hbm.at[pl.ds(off, 2 * _HCH)], idx_v)

        pltpu.async_copy(
            table_hbm.at[idx_v.at[pl.ds(half * _HCH, _HCH)]], rows_v, sem
        ).wait()

        rowbase = [lax.iota(jnp.int32, 16) * _HIST + (k * 16 * _HIST)
                   for k in range(4)]
        hvecs = [jnp.full((16,), h, jnp.int32) for h in range(_HID)]

        def repack(l, carry2):
            rl = [rb + l for rb in rowbase]
            for h in range(_HID):
                for k in range(4):
                    v = plsc.load_gather(rows_v, [rl[k], hvecs[h]])
                    rpk_v[l, h // 8, h % 8, pl.ds(k * 16, 16)] = v
            return carry2

        lax.fori_loop(0, _HIST, repack, 0)
        pltpu.sync_copy(
            rpk_v,
            emb_hbm.at[:, :, cb, :, pl.ds(half * 64, 64)],
        )
        return carry

    lax.fori_loop(0, 2 * _CBW, step, 0)


def _sc_gather(table, idx):
    mesh = plsc.VectorSubcoreMesh(core_axis_name="c", subcore_axis_name="s")
    return pl.kernel(
        _gather_body,
        out_type=jax.ShapeDtypeStruct((_HIST, 2, _BATCH // 128, 8, 128),
                                      jnp.float32),
        mesh=mesh,
        scratch_types=[
            pltpu.VMEM((2 * _HCH,), jnp.int32),
            pltpu.VMEM((_HCH, _HID), jnp.float32),
            pltpu.VMEM((_HIST, 2, 8, 64), jnp.float32),
            pltpu.SemaphoreType.DMA,
        ],
        compiler_params=pltpu.CompilerParams(use_tc_tiling_on_sc=False,
                                             needs_layout_passes=False),
    )(table, idx)


_PACK = 128 // _HID
_ROWS = _TOKENS // _PACK
_BM = 2048


_VB = 8192
_VROWS = 1000000 * _HID // 128


def _pt_body(a_ref, t_ref):
    a = a_ref[...]
    at3 = a.T.reshape(_VB // 8, 8, _HID)
    for u in range(8):
        t_ref[:, u * _HID:(u + 1) * _HID] = at3[:, u, :]


def _pack_transpose(A):
    n_vocab = A.shape[1]
    grid = (n_vocab + _VB - 1) // _VB
    return pl.pallas_call(
        _pt_body,
        grid=(grid,),
        in_specs=[pl.BlockSpec((_HID, _VB), lambda i: (0, i))],
        out_specs=pl.BlockSpec((_VB // 8, 128), lambda i: (i, 0)),
        out_shape=jax.ShapeDtypeStruct((n_vocab * _HID // 128, 128), jnp.float32),
    )(A)


_NCB = _BATCH // 128
_CB = 32


def _mm_body(emb_ref, w_ref, out_ref):
    w = w_ref[...]
    for cc in range(_CB):
        s = jnp.concatenate(
            [emb_ref[0, 0, cc, :, :], emb_ref[0, 1, cc, :, :]], axis=0)
        out_ref[0, :, pl.ds(cc * 128, 128)] = jnp.dot(
            w, s, preferred_element_type=jnp.float32)


def _tc_matmul(emb5, w):
    return pl.pallas_call(
        _mm_body,
        grid=(_HIST, _NCB // _CB),
        in_specs=[
            pl.BlockSpec((1, 2, _CB, 8, 128), lambda l, c: (l, 0, c, 0, 0)),
            pl.BlockSpec((_OUT, _HID), lambda l, c: (0, 0)),
        ],
        out_specs=pl.BlockSpec((1, _OUT, _CB * 128), lambda l, c: (l, 0, c)),
        out_shape=jax.ShapeDtypeStruct((_HIST, _OUT, _BATCH), jnp.float32),
    )(emb5, w)


def kernel(x, A, B):
    n_vocab = A.shape[1]
    t128 = _pack_transpose(A)
    table = t128.reshape(n_vocab, _HID)
    idx = x.reshape(-1)
    emb5 = _sc_gather(table, idx)
    out3 = _tc_matmul(emb5, B)
    return out3.transpose(2, 0, 1)

# --- scband reference (transcript-rebuilt; emitter-appended) ---
"""Pipeline reference for scband-embedding-68590627717525 (READ-ONLY COPY).

The authoritative reference and input builder live on the scoring server;
editing this copy changes nothing except your own understanding.
"""

import jax, jax.numpy as jnp
import numpy as np

INPUT_SIZE = 1000000
HIDDEN_SIZE = 16
OUTPUT_SIZE = 64
BATCH = 16384
HIST = 50


def setup_inputs(seed: int = 0) -> dict:
    key = jax.random.key(seed)
    k1, k2, k3 = jax.random.split(key, 3)
    x = jax.random.randint(k1, (BATCH, HIST), 0, INPUT_SIZE, dtype=jnp.int32)
    # LoRA-style factors: A [hidden, input], B [output, hidden]
    # (reset_parameters zeros A; we use small random init so outputs/grads are non-degenerate)
    A = jax.random.normal(k2, (HIDDEN_SIZE, INPUT_SIZE), dtype=jnp.float32) * 0.02
    B = jax.random.normal(k3, (OUTPUT_SIZE, HIDDEN_SIZE), dtype=jnp.float32)
    return {"x": x, "A": A, "B": B}


def reference(x, A, B):
    # dropout is Identity (p=0.0)
    # F.embedding(x, A.T): gather rows of A.T -> [B, L, hidden]
    emb = jnp.take(A.T, x, axis=0)
    # x @ B.T -> [B, L, output]
    out = emb @ B.T
    return out

if __name__ == "__main__":
    import jax
    _d = setup_inputs()
    print(jax.jit(kernel)(*tuple(_d.values())))

</pallas_src>

<mosaic_0001>
#map = affine_map<(d0, d1) -> (0, 0)>
#map1 = affine_map<(d0, d1) -> (0)>
#map2 = affine_map<(d0, d1) -> (0, 0, 0, 0, 0)>
module attributes {stable_mosaic.version = 14 : i64} {
  func.func @_gather_body(%arg0: i32, %arg1: i32, %arg2: memref<1000000x16xf32, #tpu.memory_space<hbm>>, %arg3: memref<819200xi32, #tpu.memory_space<hbm>>, %arg4: memref<50x2x128x8x128xf32, #tpu.memory_space<hbm>>, %arg5: memref<6400xi32, #tpu.memory_space<vmem>>, %arg6: memref<3200x16xf32, #tpu.memory_space<vmem>>, %arg7: memref<50x2x8x64xf32, #tpu.memory_space<vmem>>, %arg8: memref<!tpu.dma_semaphore, #tpu.memory_space<semaphore_mem>>) attributes {dimension_semantics = [#tpu.dimension_semantics<core_parallel>, #tpu.dimension_semantics<subcore_parallel>], iteration_bounds = array<i64: 2, 16>, scalar_prefetch = 0 : i64, scratch_operands = 4 : i64, tpu.core_type = #tpu.core_type<sc_vector_subcore>, window_params = [{transform_indices = #map}, {transform_indices = #map1}, {transform_indices = #map2}]} {
    %mul3A = arith.constant 2 : i32
    %mul3A_0 = arith.muli %arg1, %mul3A : i32
    %add3A = arith.addi %mul3A_0, %arg0 : i32
    %scan3A = arith.constant 0 : i32
    %scan3A_1 = arith.constant 0 : i32
    %scan3A_2 = arith.constant 8 : i32
    %scan3A_3 = arith.addi %scan3A_1, %scan3A_2 : i32
    %scan3A_4 = arith.constant 1 : i32
    scf.for %scan3A_6 = %scan3A_1 to %scan3A_3 step %scan3A_4  : i32 {
      %jit3A = arith.constant 2 : i32
      %div3A = arith.divsi %scan3A_6, %jit3A : i32
      %sign3A = arith.constant 0 : i32
      %sign3A_7 = arith.cmpi sgt, %scan3A_6, %sign3A : i32
      %sign3A_8 = arith.extui %sign3A_7 : i1 to i32
      %sign3A_9 = arith.constant 0 : i32
      %sign3A_10 = arith.cmpi slt, %scan3A_6, %sign3A_9 : i32
      %sign3A_11 = arith.extui %sign3A_10 : i1 to i32
      %sign3A_12 = arith.subi %sign3A_8, %sign3A_11 : i32
      %sign3A_13 = arith.constant 0 : i32
      %sign3A_14 = arith.cmpi sgt, %jit3A, %sign3A_13 : i32
      %sign3A_15 = arith.extui %sign3A_14 : i1 to i32
      %sign3A_16 = arith.constant 0 : i32
      %sign3A_17 = arith.cmpi slt, %jit3A, %sign3A_16 : i32
      %sign3A_18 = arith.extui %sign3A_17 : i1 to i32
      %sign3A_19 = arith.subi %sign3A_15, %sign3A_18 : i32
      %ne3A = arith.cmpi ne, %sign3A_12, %sign3A_19 : i32
      %rem3A = arith.remsi %scan3A_6, %jit3A : i32
      %ne3A_20 = arith.constant 0 : i32
      %ne3A_21 = arith.cmpi ne, %rem3A, %ne3A_20 : i32
      %and3A = arith.andi %ne3A, %ne3A_21 : i1
      %sub3A = arith.constant 1 : i32
      %sub3A_22 = arith.subi %div3A, %sub3A : i32
      %select_n3A = arith.select %and3A, %sub3A_22, %div3A : i32
      %jit3A_23 = arith.constant 2 : i32
      %eq3A = arith.constant 0 : i32
      %eq3A_24 = arith.cmpi eq, %jit3A_23, %eq3A : i32
      %jit3A_25 = arith.constant 1 : i32
      %select_n3A_26 = arith.select %eq3A_24, %jit3A_25, %jit3A_23 : i32
      %rem3A_27 = arith.remsi %scan3A_6, %select_n3A_26 : i32
      %ne3A_28 = arith.constant 0 : i32
      %ne3A_29 = arith.cmpi ne, %rem3A_27, %ne3A_28 : i32
      %lt3A = arith.constant 0 : i32
      %lt3A_30 = arith.cmpi slt, %rem3A_27, %lt3A : i32
      %lt3A_31 = arith.constant 0 : i32
      %lt3A_32 = arith.cmpi slt, %select_n3A_26, %lt3A_31 : i32
      %ne3A_33 = arith.xori %lt3A_30, %lt3A_32 : i1
      %and3A_34 = arith.andi %ne3A_33, %ne3A_29 : i1
      %add3A_35 = arith.addi %rem3A_27, %select_n3A_26 : i32
      %select_n3A_36 = arith.select %and3A_34, %add3A_35, %rem3A_27 : i32
      %mul3A_37 = arith.constant 4 : i32
      %mul3A_38 = arith.muli %add3A, %mul3A_37 : i32
      %add3A_39 = arith.addi %mul3A_38, %select_n3A : i32
      %mul3A_40 = arith.constant 2 : i32
      %mul3A_41 = arith.muli %add3A_39, %mul3A_40 : i32
      %mul3A_42 = arith.constant 3200 : i32
      %mul3A_43 = arith.muli %mul3A_41, %mul3A_42 : i32
      %multiple_of3A = tpu.assume_multiple %mul3A_43, 8 : i32
      %eq3A_44 = arith.constant 0 : i32
      %eq3A_45 = arith.cmpi eq, %select_n3A_36, %eq3A_44 : i32
      %convert_element_type3A = arith.extui %eq3A_45 : i1 to i32
      %cond3A = arith.constant 0 : i32
      %cond3A_46 = arith.cmpi ne, %convert_element_type3A, %cond3A : i32
      scf.if %cond3A_46 {
        "tpu.region"() ({
          %run_scoped3A = tpu.sem_alloc : memref<!tpu.dma_semaphore, #tpu.memory_space<semaphore_mem>>
          %dma_start3A_121 = tpu.memref_slice %arg3[%multiple_of3A] : memref<819200xi32, #tpu.memory_space<hbm>> -> memref<6400xi32, #tpu.memory_space<hbm>>
          %dma_start3A_122 = tpu.memref_slice %arg3[%multiple_of3A] : memref<819200xi32, #tpu.memory_space<hbm>> -> memref<6400xi32, #tpu.memory_space<hbm>>
          tpu.enqueue_dma source(%dma_start3A_122 : memref<6400xi32, #tpu.memory_space<hbm>>) target(%arg5 : memref<6400xi32, #tpu.memory_space<vmem>>) target_semaphore(%run_scoped3A : memref<!tpu.dma_semaphore, #tpu.memory_space<semaphore_mem>>)
          %dma_wait3A_123 = tpu.memref_slice %arg3[%multiple_of3A] : memref<819200xi32, #tpu.memory_space<hbm>> -> memref<6400xi32, #tpu.memory_space<hbm>>
          %dma_wait3A_124 = tpu.memref_slice %arg3[%multiple_of3A] : memref<819200xi32, #tpu.memory_space<hbm>> -> memref<6400xi32, #tpu.memory_space<hbm>>
          tpu.wait_dma2 semaphore(%run_scoped3A : memref<!tpu.dma_semaphore, #tpu.memory_space<semaphore_mem>>) src(%dma_wait3A_124 : memref<6400xi32, #tpu.memory_space<hbm>>) dst(%arg5 : memref<6400xi32, #tpu.memory_space<vmem>>)
          tpu.yield
        }) : () -> ()
      } else {
      }
      %mul3A_47 = arith.constant 3200 : i32
      %mul3A_48 = arith.muli %select_n3A_36, %mul3A_47 : i32
      %dma_start3A = tpu.memref_slice %arg5[%mul3A_48] : memref<6400xi32, #tpu.memory_space<vmem>> -> memref<3200xi32, #tpu.memory_space<vmem>>
      %dma_start3A_49 = arith.constant 0 : i32
      %dma_start3A_50 = arith.constant 0 : i32
      %dma_start3A_51 = tpu.memref_slice %arg2[%dma_start3A_49, %dma_start3A_50] : memref<1000000x16xf32, #tpu.memory_space<hbm>> -> memref<1000000x16xf32, #tpu.memory_space<hbm>>
      tpu.enqueue_indirect_dma source(%dma_start3A_51 : memref<1000000x16xf32, #tpu.memory_space<hbm>>) target(%arg6 : memref<3200x16xf32, #tpu.memory_space<vmem>>) offsets(%dma_start3A : memref<3200xi32, #tpu.memory_space<vmem>>) semaphore(%arg8 : memref<!tpu.dma_semaphore, #tpu.memory_space<semaphore_mem>>)
      %dma_wait3A = tpu.memref_slice %arg5[%mul3A_48] : memref<6400xi32, #tpu.memory_space<vmem>> -> memref<3200xi32, #tpu.memory_space<vmem>>
      %dma_wait3A_52 = arith.constant 0 : i32
      %dma_wait3A_53 = arith.constant 0 : i32
      %dma_wait3A_54 = tpu.memref_slice %arg2[%dma_wait3A_52, %dma_wait3A_53] : memref<1000000x16xf32, #tpu.memory_space<hbm>> -> memref<1000000x16xf32, #tpu.memory_space<hbm>>
      tpu.wait_indirect_dma semaphore(%arg8 : memref<!tpu.dma_semaphore, #tpu.memory_space<semaphore_mem>>) src(%dma_wait3A_54 : memref<1000000x16xf32, #tpu.memory_space<hbm>>) dst(%arg6 : memref<3200x16xf32, #tpu.memory_space<vmem>>)
      %iota3A = tpu.iota {dimensions = array<i32: 0>} : vector<16xi32>
      %mul3A_55 = arith.constant 50 : i32
      %mul3A_56 = vector.broadcast %mul3A_55 : i32 to vector<16xi32>
      %mul3A_57 = arith.muli %iota3A, %mul3A_56 : vector<16xi32>
      %add3A_58 = arith.constant 0 : i32
      %add3A_59 = vector.broadcast %add3A_58 : i32 to vector<16xi32>
      %add3A_60 = arith.addi %mul3A_57, %add3A_59 : vector<16xi32>
      %iota3A_61 = tpu.iota {dimensions = array<i32: 0>} : vector<16xi32>
      %mul3A_62 = arith.constant 50 : i32
      %mul3A_63 = vector.broadcast %mul3A_62 : i32 to vector<16xi32>
      %mul3A_64 = arith.muli %iota3A_61, %mul3A_63 : vector<16xi32>
      %add3A_65 = arith.constant 800 : i32
      %add3A_66 = vector.broadcast %add3A_65 : i32 to vector<16xi32>
      %add3A_67 = arith.addi %mul3A_64, %add3A_66 : vector<16xi32>
      %iota3A_68 = tpu.iota {dimensions = array<i32: 0>} : vector<16xi32>
      %mul3A_69 = arith.constant 50 : i32
      %mul3A_70 = vector.broadcast %mul3A_69 : i32 to vector<16xi32>
      %mul3A_71 = arith.muli %iota3A_68, %mul3A_70 : vector<16xi32>
      %add3A_72 = arith.constant 1600 : i32
      %add3A_73 = vector.broadcast %add3A_72 : i32 to vector<16xi32>
      %add3A_74 = arith.addi %mul3A_71, %add3A_73 : vector<16xi32>
      %iota3A_75 = tpu.iota {dimensions = array<i32: 0>} : vector<16xi32>
      %mul3A_76 = arith.constant 50 : i32
      %mul3A_77 = vector.broadcast %mul3A_76 : i32 to vector<16xi32>
      %mul3A_78 = arith.muli %iota3A_75, %mul3A_77 : vector<16xi32>
      %add3A_79 = arith.constant 2400 : i32
      %add3A_80 = vector.broadcast %add3A_79 : i32 to vector<16xi32>
      %add3A_81 = arith.addi %mul3A_78, %add3A_80 : vector<16xi32>
      %broadcast_in_dim3A = arith.constant 0 : i32
      %broadcast_in_dim3A_82 = vector.broadcast %broadcast_in_dim3A : i32 to vector<16xi32>
      %broadcast_in_dim3A_83 = arith.constant 1 : i32
      %broadcast_in_dim3A_84 = vector.broadcast %broadcast_in_dim3A_83 : i32 to vector<16xi32>
      %broadcast_in_dim3A_85 = arith.constant 2 : i32
      %broadcast_in_dim3A_86 = vector.broadcast %broadcast_in_dim3A_85 : i32 to vector<16xi32>
      %broadcast_in_dim3A_87 = arith.constant 3 : i32
      %broadcast_in_dim3A_88 = vector.broadcast %broadcast_in_dim3A_87 : i32 to vector<16xi32>
      %broadcast_in_dim3A_89 = arith.constant 4 : i32
      %broadcast_in_dim3A_90 = vector.broadcast %broadcast_in_dim3A_89 : i32 to vector<16xi32>
      %broadcast_in_dim3A_91 = arith.constant 5 : i32
      %broadcast_in_dim3A_92 = vector.broadcast %broadcast_in_dim3A_91 : i32 to vector<16xi32>
      %broadcast_in_dim3A_93 = arith.constant 6 : i32
      %broadcast_in_dim3A_94 = vector.broadcast %broadcast_in_dim3A_93 : i32 to vector<16xi32>
      %broadcast_in_dim3A_95 = arith.constant 7 : i32
      %broadcast_in_dim3A_96 = vector.broadcast %broadcast_in_dim3A_95 : i32 to vector<16xi32>
      %broadcast_in_dim3A_97 = arith.constant 8 : i32
      %broadcast_in_dim3A_98 = vector.broadcast %broadcast_in_dim3A_97 : i32 to vector<16xi32>
      %broadcast_in_dim3A_99 = arith.constant 9 : i32
      %broadcast_in_dim3A_100 = vector.broadcast %broadcast_in_dim3A_99 : i32 to vector<16xi32>
      %broadcast_in_dim3A_101 = arith.constant 10 : i32
      %broadcast_in_dim3A_102 = vector.broadcast %broadcast_in_dim3A_101 : i32 to vector<16xi32>
      %broadcast_in_dim3A_103 = arith.constant 11 : i32
      %broadcast_in_dim3A_104 = vector.broadcast %broadcast_in_dim3A_103 : i32 to vector<16xi32>
      %broadcast_in_dim3A_105 = arith.constant 12 : i32
      %broadcast_in_dim3A_106 = vector.broadcast %broadcast_in_dim3A_105 : i32 to vector<16xi32>
      %broadcast_in_dim3A_107 = arith.constant 13 : i32
      %broadcast_in_dim3A_108 = vector.broadcast %broadcast_in_dim3A_107 : i32 to vector<16xi32>
      %broadcast_in_dim3A_109 = arith.constant 14 : i32
      %broadcast_in_dim3A_110 = vector.broadcast %broadcast_in_dim3A_109 : i32 to vector<16xi32>
      %broadcast_in_dim3A_111 = arith.constant 15 : i32
      %broadcast_in_dim3A_112 = vector.broadcast %broadcast_in_dim3A_111 : i32 to vector<16xi32>
      %scan3A_113 = arith.constant 0 : i32
      %scan3A_114 = arith.constant 0 : i32
      %scan3A_115 = arith.constant 50 : i32
      %scan3A_116 = arith.addi %scan3A_114, %scan3A_115 : i32
      %scan3A_117 = arith.constant 1 : i32
      scf.for %scan3A_121 = %scan3A_114 to %scan3A_116 step %scan3A_117  : i32 {
        %add3A_122 = vector.broadcast %scan3A_121 : i32 to vector<16xi32>
        %add3A_123 = arith.addi %add3A_60, %add3A_122 : vector<16xi32>
        %add3A_124 = vector.broadcast %scan3A_121 : i32 to vector<16xi32>
        %add3A_125 = arith.addi %add3A_67, %add3A_124 : vector<16xi32>
        %add3A_126 = vector.broadcast %scan3A_121 : i32 to vector<16xi32>
        %add3A_127 = arith.addi %add3A_74, %add3A_126 : vector<16xi32>
        %add3A_128 = vector.broadcast %scan3A_121 : i32 to vector<16xi32>
        %add3A_129 = arith.addi %add3A_81, %add3A_128 : vector<16xi32>
        %gather3A = tpu.vector_load_idx %arg6[%add3A_123, %broadcast_in_dim3A_82] : memref<3200x16xf32, #tpu.memory_space<vmem>>[vector<16xi32>, vector<16xi32>], vector<16xf32>,
        %swap3A = arith.constant 0 : i32
        %swap3A_130 = arith.constant 0 : i32
        %swap3A_131 = arith.index_cast %scan3A_121 : i32 to index
        %swap3A_132 = arith.index_cast %swap3A : i32 to index
        %swap3A_133 = arith.index_cast %swap3A_130 : i32 to index
        %swap3A_134 = arith.constant 0 : index
        %swap3A_135 = tpu.vector_load %arg7[%swap3A_131, %swap3A_132, %swap3A_133, %swap3A_134] {strides = array<i32>} : memref<50x2x8x64xf32, #tpu.memory_space<vmem>>, vector<16xf32>,
        tpu.vector_store %arg7[%swap3A_131, %swap3A_132, %swap3A_133, %swap3A_134], %gather3A {strides = array<i32>} : memref<50x2x8x64xf32, #tpu.memory_space<vmem>>, vector<16xf32>,
        %gather3A_136 = tpu.vector_load_idx %arg6[%add3A_125, %broadcast_in_dim3A_82] : memref<3200x16xf32, #tpu.memory_space<vmem>>[vector<16xi32>, vector<16xi32>], vector<16xf32>,
        %swap3A_137 = arith.constant 0 : i32
        %swap3A_138 = arith.constant 0 : i32
        %swap3A_139 = arith.index_cast %scan3A_121 : i32 to index
        %swap3A_140 = arith.index_cast %swap3A_137 : i32 to index
        %swap3A_141 = arith.index_cast %swap3A_138 : i32 to index
        %swap3A_142 = arith.constant 16 : index
        %swap3A_143 = tpu.vector_load %arg7[%swap3A_139, %swap3A_140, %swap3A_141, %swap3A_142] {strides = array<i32>} : memref<50x2x8x64xf32, #tpu.memory_space<vmem>>, vector<16xf32>,
        tpu.vector_store %arg7[%swap3A_139, %swap3A_140, %swap3A_141, %swap3A_142], %gather3A_136 {strides = array<i32>} : memref<50x2x8x64xf32, #tpu.memory_space<vmem>>, vector<16xf32>,
        %gather3A_144 = tpu.vector_load_idx %arg6[%add3A_127, %broadcast_in_dim3A_82] : memref<3200x16xf32, #tpu.memory_space<vmem>>[vector<16xi32>, vector<16xi32>], vector<16xf32>,
        %swap3A_145 = arith.constant 0 : i32
        %swap3A_146 = arith.constant 0 : i32
        %swap3A_147 = arith.index_cast %scan3A_121 : i32 to index
        %swap3A_148 = arith.index_cast %swap3A_145 : i32 to index
        %swap3A_149 = arith.index_cast %swap3A_146 : i32 to index
        %swap3A_150 = arith.constant 32 : index
        %swap3A_151 = tpu.vector_load %arg7[%swap3A_147, %swap3A_148, %swap3A_149, %swap3A_150] {strides = array<i32>} : memref<50x2x8x64xf32, #tpu.memory_space<vmem>>, vector<16xf32>,
        tpu.vector_store %arg7[%swap3A_147, %swap3A_148, %swap3A_149, %swap3A_150], %gather3A_144 {strides = array<i32>} : memref<50x2x8x64xf32, #tpu.memory_space<vmem>>, vector<16xf32>,
        %gather3A_152 = tpu.vector_load_idx %arg6[%add3A_129, %broadcast_in_dim3A_82] : memref<3200x16xf32, #tpu.memory_space<vmem>>[vector<16xi32>, vector<16xi32>], vector<16xf32>,
        %swap3A_153 = arith.constant 0 : i32
        %swap3A_154 = arith.constant 0 : i32
        %swap3A_155 = arith.index_cast %scan3A_121 : i32 to index
        %swap3A_156 = arith.index_cast %swap3A_153 : i32 to index
        %swap3A_157 = arith.index_cast %swap3A_154 : i32 to index
        %swap3A_158 = arith.constant 48 : index
        %swap3A_159 = tpu.vector_load %arg7[%swap3A_155, %swap3A_156, %swap3A_157, %swap3A_158] {strides = array<i32>} : memref<50x2x8x64xf32, #tpu.memory_space<vmem>>, vector<16xf32>,
        tpu.vector_store %arg7[%swap3A_155, %swap3A_156, %swap3A_157, %swap3A_158], %gather3A_152 {strides = array<i32>} : memref<50x2x8x64xf32, #tpu.memory_space<vmem>>, vector<16xf32>,
        %gather3A_160 = tpu.vector_load_idx %arg6[%add3A_123, %broadcast_in_dim3A_84] : memref<3200x16xf32, #tpu.memory_space<vmem>>[vector<16xi32>, vector<16xi32>], vector<16xf32>,
        %swap3A_161 = arith.constant 0 : i32
        %swap3A_162 = arith.constant 1 : i32
        %swap3A_163 = arith.index_cast %scan3A_121 : i32 to index
        %swap3A_164 = arith.index_cast %swap3A_161 : i32 to index
        %swap3A_165 = arith.index_cast %swap3A_162 : i32 to index
        %swap3A_166 = arith.constant 0 : index
        %swap3A_167 = tpu.vector_load %arg7[%swap3A_163, %swap3A_164, %swap3A_165, %swap3A_166] {strides = array<i32>} : memref<50x2x8x64xf32, #tpu.memory_space<vmem>>, vector<16xf32>,
        tpu.vector_store %arg7[%swap3A_163, %swap3A_164, %swap3A_165, %swap3A_166], %gather3A_160 {strides = array<i32>} : memref<50x2x8x64xf32, #tpu.memory_space<vmem>>, vector<16xf32>,
        %gather3A_168 = tpu.vector_load_idx %arg6[%add3A_125, %broadcast_in_dim3A_84] : memref<3200x16xf32, #tpu.memory_space<vmem>>[vector<16xi32>, vector<16xi32>], vector<16xf32>,
        %swap3A_169 = arith.constant 0 : i32
        %swap3A_170 = arith.constant 1 : i32
        %swap3A_171 = arith.index_cast %scan3A_121 : i32 to index
        %swap3A_172 = arith.index_cast %swap3A_169 : i32 to index
        %swap3A_173 = arith.index_cast %swap3A_170 : i32 to index
        %swap3A_174 = arith.constant 16 : index
        %swap3A_175 = tpu.vector_load %arg7[%swap3A_171, %swap3A_172, %swap3A_173, %swap3A_174] {strides = array<i32>} : memref<50x2x8x64xf32, #tpu.memory_space<vmem>>, vector<16xf32>,
        tpu.vector_store %arg7[%swap3A_171, %swap3A_172, %swap3A_173, %swap3A_174], %gather3A_168 {strides = array<i32>} : memref<50x2x8x64xf32, #tpu.memory_space<vmem>>, vector<16xf32>,
        %gather3A_176 = tpu.vector_load_idx %arg6[%add3A_127, %broadcast_in_dim3A_84] : memref<3200x16xf32, #tpu.memory_space<vmem>>[vector<16xi32>, vector<16xi32>], vector<16xf32>,
        %swap3A_177 = arith.constant 0 : i32
        %swap3A_178 = arith.constant 1 : i32
        %swap3A_179 = arith.index_cast %scan3A_121 : i32 to index
        %swap3A_180 = arith.index_cast %swap3A_177 : i32 to index
        %swap3A_181 = arith.index_cast %swap3A_178 : i32 to index
        %swap3A_182 = arith.constant 32 : index
        %swap3A_183 = tpu.vector_load %arg7[%swap3A_179, %swap3A_180, %swap3A_181, %swap3A_182] {strides = array<i32>} : memref<50x2x8x64xf32, #tpu.memory_space<vmem>>, vector<16xf32>,
        tpu.vector_store %arg7[%swap3A_179, %swap3A_180, %swap3A_181, %swap3A_182], %gather3A_176 {strides = array<i32>} : memref<50x2x8x64xf32, #tpu.memory_space<vmem>>, vector<16xf32>,
        %gather3A_184 = tpu.vector_load_idx %arg6[%add3A_129, %broadcast_in_dim3A_84] : memref<3200x16xf32, #tpu.memory_space<vmem>>[vector<16xi32>, vector<16xi32>], vector<16xf32>,
        %swap3A_185 = arith.constant 0 : i32
        %swap3A_186 = arith.constant 1 : i32
        %swap3A_187 = arith.index_cast %scan3A_121 : i32 to index
        %swap3A_188 = arith.index_cast %swap3A_185 : i32 to index
        %swap3A_189 = arith.index_cast %swap3A_186 : i32 to index
        %swap3A_190 = arith.constant 48 : index
        %swap3A_191 = tpu.vector_load %arg7[%swap3A_187, %swap3A_188, %swap3A_189, %swap3A_190] {strides = array<i32>} : memref<50x2x8x64xf32, #tpu.memory_space<vmem>>, vector<16xf32>,
        tpu.vector_store %arg7[%swap3A_187, %swap3A_188, %swap3A_189, %swap3A_190], %gather3A_184 {strides = array<i32>} : memref<50x2x8x64xf32, #tpu.memory_space<vmem>>, vector<16xf32>,
        %gather3A_192 = tpu.vector_load_idx %arg6[%add3A_123, %broadcast_in_dim3A_86] : memref<3200x16xf32, #tpu.memory_space<vmem>>[vector<16xi32>, vector<16xi32>], vector<16xf32>,
        %swap3A_193 = arith.constant 0 : i32
        %swap3A_194 = arith.constant 2 : i32
        %swap3A_195 = arith.index_cast %scan3A_121 : i32 to index
        %swap3A_196 = arith.index_cast %swap3A_193 : i32 to index
        %swap3A_197 = arith.index_cast %swap3A_194 : i32 to index
        %swap3A_198 = arith.constant 0 : index
        %swap3A_199 = tpu.vector_load %arg7[%swap3A_195, %swap3A_196, %swap3A_197, %swap3A_198] {strides = array<i32>} : memref<50x2x8x64xf32, #tpu.memory_space<vmem>>, vector<16xf32>,
        tpu.vector_store %arg7[%swap3A_195, %swap3A_196, %swap3A_197, %swap3A_198], %gather3A_192 {strides = array<i32>} : memref<50x2x8x64xf32, #tpu.memory_space<vmem>>, vector<16xf32>,
        %gather3A_200 = tpu.vector_load_idx %arg6[%add3A_125, %broadcast_in_dim3A_86] : memref<3200x16xf32, #tpu.memory_space<vmem>>[vector<16xi32>, vector<16xi32>], vector<16xf32>,
        %swap3A_201 = arith.constant 0 : i32
        %swap3A_202 = arith.constant 2 : i32
        %swap3A_203 = arith.index_cast %scan3A_121 : i32 to index
        %swap3A_204 = arith.index_cast %swap3A_201 : i32 to index
        %swap3A_205 = arith.index_cast %swap3A_202 : i32 to index
        %swap3A_206 = arith.constant 16 : index
        %swap3A_207 = tpu.vector_load %arg7[%swap3A_203, %swap3A_204, %swap3A_205, %swap3A_206] {strides = array<i32>} : memref<50x2x8x64xf32, #tpu.memory_space<vmem>>, vector<16xf32>,
        tpu.vector_store %arg7[%swap3A_203, %swap3A_204, %swap3A_205, %swap3A_206], %gather3A_200 {strides = array<i32>} : memref<50x2x8x64xf32, #tpu.memory_space<vmem>>, vector<16xf32>,
        %gather3A_208 = tpu.vector_load_idx %arg6[%add3A_127, %broadcast_in_dim3A_86] : memref<3200x16xf32, #tpu.memory_space<vmem>>[vector<16xi32>, vector<16xi32>], vector<16xf32>,
        %swap3A_209 = arith.constant 0 : i32
        %swap3A_210 = arith.constant 2 : i32
        %swap3A_211 = arith.index_cast %scan3A_121 : i32 to index
        %swap3A_212 = arith.index_cast %swap3A_209 : i32 to index
        %swap3A_213 = arith.index_cast %swap3A_210 : i32 to index
        %swap3A_214 = arith.constant 32 : index
        %swap3A_215 = tpu.vector_load %arg7[%swap3A_211, %swap3A_212, %swap3A_213, %swap3A_214] {strides = array<i32>} : memref<50x2x8x64xf32, #tpu.memory_space<vmem>>, vector<16xf32>,
        tpu.vector_store %arg7[%swap3A_211, %swap3A_212, %swap3A_213, %swap3A_214], %gather3A_208 {strides = array<i32>} : memref<50x2x8x64xf32, #tpu.memory_space<vmem>>, vector<16xf32>,
        %gather3A_216 = tpu.vector_load_idx %arg6[%add3A_129, %broadcast_in_dim3A_86] : memref<3200x16xf32, #tpu.memory_space<vmem>>[vector<16xi32>, vector<16xi32>], vector<16xf32>,
        %swap3A_217 = arith.constant 0 : i32
        %swap3A_218 = arith.constant 2 : i32
        %swap3A_219 = arith.index_cast %scan3A_121 : i32 to index
        %swap3A_220 = arith.index_cast %swap3A_217 : i32 to index
        %swap3A_221 = arith.index_cast %swap3A_218 : i32 to index
        %swap3A_222 = arith.constant 48 : index
        %swap3A_223 = tpu.vector_load %arg7[%swap3A_219, %swap3A_220, %swap3A_221, %swap3A_222] {strides = array<i32>} : memref<50x2x8x64xf32, #tpu.memory_space<vmem>>, vector<16xf32>,
        tpu.vector_store %arg7[%swap3A_219, %swap3A_220, %swap3A_221, %swap3A_222], %gather3A_216 {strides = array<i32>} : memref<50x2x8x64xf32, #tpu.memory_space<vmem>>, vector<16xf32>,
        %gather3A_224 = tpu.vector_load_idx %arg6[%add3A_123, %broadcast_in_dim3A_88] : memref<3200x16xf32, #tpu.memory_space<vmem>>[vector<16xi32>, vector<16xi32>], vector<16xf32>,
        %swap3A_225 = arith.constant 0 : i32
        %swap3A_226 = arith.constant 3 : i32
        %swap3A_227 = arith.index_cast %scan3A_121 : i32 to index
        %swap3A_228 = arith.index_cast %swap3A_225 : i32 to index
        %swap3A_229 = arith.index_cast %swap3A_226 : i32 to index
        %swap3A_230 = arith.constant 0 : index
        %swap3A_231 = tpu.vector_load %arg7[%swap3A_227, %swap3A_228, %swap3A_229, %swap3A_230] {strides = array<i32>} : memref<50x2x8x64xf32, #tpu.memory_space<vmem>>, vector<16xf32>,
        tpu.vector_store %arg7[%swap3A_227, %swap3A_228, %swap3A_229, %swap3A_230], %gather3A_224 {strides = array<i32>} : memref<50x2x8x64xf32, #tpu.memory_space<vmem>>, vector<16xf32>,
        %gather3A_232 = tpu.vector_load_idx %arg6[%add3A_125, %broadcast_in_dim3A_88] : memref<3200x16xf32, #tpu.memory_space<vmem>>[vector<16xi32>, vector<16xi32>], vector<16xf32>,
        %swap3A_233 = arith.constant 0 : i32
        %swap3A_234 = arith.constant 3 : i32
        %swap3A_235 = arith.index_cast %scan3A_121 : i32 to index
        %swap3A_236 = arith.index_cast %swap3A_233 : i32 to index
        %swap3A_237 = arith.index_cast %swap3A_234 : i32 to index
        %swap3A_238 = arith.constant 16 : index
        %swap3A_239 = tpu.vector_load %arg7[%swap3A_235, %swap3A_236, %swap3A_237, %swap3A_238] {strides = array<i32>} : memref<50x2x8x64xf32, #tpu.memory_space<vmem>>, vector<16xf32>,
        tpu.vector_store %arg7[%swap3A_235, %swap3A_236, %swap3A_237, %swap3A_238], %gather3A_232 {strides = array<i32>} : memref<50x2x8x64xf32, #tpu.memory_space<vmem>>, vector<16xf32>,
        %gather3A_240 = tpu.vector_load_idx %arg6[%add3A_127, %broadcast_in_dim3A_88] : memref<3200x16xf32, #tpu.memory_space<vmem>>[vector<16xi32>, vector<16xi32>], vector<16xf32>,
        %swap3A_241 = arith.constant 0 : i32
        %swap3A_242 = arith.constant 3 : i32
        %swap3A_243 = arith.index_cast %scan3A_121 : i32 to index
        %swap3A_244 = arith.index_cast %swap3A_241 : i32 to index
        %swap3A_245 = arith.index_cast %swap3A_242 : i32 to index
        %swap3A_246 = arith.constant 32 : index
        %swap3A_247 = tpu.vector_load %arg7[%swap3A_243, %swap3A_244, %swap3A_245, %swap3A_246] {strides = array<i32>} : memref<50x2x8x64xf32, #tpu.memory_space<vmem>>, vector<16xf32>,
        tpu.vector_store %arg7[%swap3A_243, %swap3A_244, %swap3A_245, %swap3A_246], %gather3A_240 {strides = array<i32>} : memref<50x2x8x64xf32, #tpu.memory_space<vmem>>, vector<16xf32>,
        %gather3A_248 = tpu.vector_load_idx %arg6[%add3A_129, %broadcast_in_dim3A_88] : memref<3200x16xf32, #tpu.memory_space<vmem>>[vector<16xi32>, vector<16xi32>], vector<16xf32>,
        %swap3A_249 = arith.constant 0 : i32
        %swap3A_250 = arith.constant 3 : i32
        %swap3A_251 = arith.index_cast %scan3A_121 : i32 to index
        %swap3A_252 = arith.index_cast %swap3A_249 : i32 to index
        %swap3A_253 = arith.index_cast %swap3A_250 : i32 to index
        %swap3A_254 = arith.constant 48 : index
        %swap3A_255 = tpu.vector_load %arg7[%swap3A_251, %swap3A_252, %swap3A_253, %swap3A_254] {strides = array<i32>} : memref<50x2x8x64xf32, #tpu.memory_space<vmem>>, vector<16xf32>,
        tpu.vector_store %arg7[%swap3A_251, %swap3A_252, %swap3A_253, %swap3A_254], %gather3A_248 {strides = array<i32>} : memref<50x2x8x64xf32, #tpu.memory_space<vmem>>, vector<16xf32>,
        %gather3A_256 = tpu.vector_load_idx %arg6[%add3A_123, %broadcast_in_dim3A_90] : memref<3200x16xf32, #tpu.memory_space<vmem>>[vector<16xi32>, vector<16xi32>], vector<16xf32>,
        %swap3A_257 = arith.constant 0 : i32
        %swap3A_258 = arith.constant 4 : i32
        %swap3A_259 = arith.index_cast %scan3A_121 : i32 to index
        %swap3A_260 = arith.index_cast %swap3A_257 : i32 to index
        %swap3A_261 = arith.index_cast %swap3A_258 : i32 to index
        %swap3A_262 = arith.constant 0 : index
        %swap3A_263 = tpu.vector_load %arg7[%swap3A_259, %swap3A_260, %swap3A_261, %swap3A_262] {strides = array<i32>} : memref<50x2x8x64xf32, #tpu.memory_space<vmem>>, vector<16xf32>,
        tpu.vector_store %arg7[%swap3A_259, %swap3A_260, %swap3A_261, %swap3A_262], %gather3A_256 {strides = array<i32>} : memref<50x2x8x64xf32, #tpu.memory_space<vmem>>, vector<16xf32>,
        %gather3A_264 = tpu.vector_load_idx %arg6[%add3A_125, %broadcast_in_dim3A_90] : memref<3200x16xf32, #tpu.memory_space<vmem>>[vector<16xi32>, vector<16xi32>], vector<16xf32>,
        %swap3A_265 = arith.constant 0 : i32
        %swap3A_266 = arith.constant 4 : i32
        %swap3A_267 = arith.index_cast %scan3A_121 : i32 to index
        %swap3A_268 = arith.index_cast %swap3A_265 : i32 to index
        %swap3A_269 = arith.index_cast %swap3A_266 : i32 to index
        %swap3A_270 = arith.constant 16 : index
        %swap3A_271 = tpu.vector_load %arg7[%swap3A_267, %swap3A_268, %swap3A_269, %swap3A_270] {strides = array<i32>} : memref<50x2x8x64xf32, #tpu.memory_space<vmem>>, vector<16xf32>,
        tpu.vector_store %arg7[%swap3A_267, %swap3A_268, %swap3A_269, %swap3A_270], %gather3A_264 {strides = array<i32>} : memref<50x2x8x64xf32, #tpu.memory_space<vmem>>, vector<16xf32>,
        %gather3A_272 = tpu.vector_load_idx %arg6[%add3A_127, %broadcast_in_dim3A_90] : memref<3200x16xf32, #tpu.memory_space<vmem>>[vector<16xi32>, vector<16xi32>], vector<16xf32>,
        %swap3A_273 = arith.constant 0 : i32
        %swap3A_274 = arith.constant 4 : i32
        %swap3A_275 = arith.index_cast %scan3A_121 : i32 to index
        %swap3A_276 = arith.index_cast %swap3A_273 : i32 to index
        %swap3A_277 = arith.index_cast %swap3A_274 : i32 to index
        %swap3A_278 = arith.constant 32 : index
        %swap3A_279 = tpu.vector_load %arg7[%swap3A_275, %swap3A_276, %swap3A_277, %swap3A_278] {strides = array<i32>} : memref<50x2x8x64xf32, #tpu.memory_space<vmem>>, vector<16xf32>,
        tpu.vector_store %arg7[%swap3A_275, %swap3A_276, %swap3A_277, %swap3A_278], %gather3A_272 {strides = array<i32>} : memref<50x2x8x64xf32, #tpu.memory_space<vmem>>, vector<16xf32>,
        %gather3A_280 = tpu.vector_load_idx %arg6[%add3A_129, %broadcast_in_dim3A_90] : memref<3200x16xf32, #tpu.memory_space<vmem>>[vector<16xi32>, vector<16xi32>], vector<16xf32>,
        %swap3A_281 = arith.constant 0 : i32
        %swap3A_282 = arith.constant 4 : i32
        %swap3A_283 = arith.index_cast %scan3A_121 : i32 to index
        %swap3A_284 = arith.index_cast %swap3A_281 : i32 to index
        %swap3A_285 = arith.index_cast %swap3A_282 : i32 to index
        %swap3A_286 = arith.constant 48 : index
        %swap3A_287 = tpu.vector_load %arg7[%swap3A_283, %swap3A_284, %swap3A_285, %swap3A_286] {strides = array<i32>} : memref<50x2x8x64xf32, #tpu.memory_space<vmem>>, vector<16xf32>,
        tpu.vector_store %arg7[%swap3A_283, %swap3A_284, %swap3A_285, %swap3A_286], %gather3A_280 {strides = array<i32>} : memref<50x2x8x64xf32, #tpu.memory_space<vmem>>, vector<16xf32>,
        %gather3A_288 = tpu.vector_load_idx %arg6[%add3A_123, %broadcast_in_dim3A_92] : memref<3200x16xf32, #tpu.memory_space<vmem>>[vector<16xi32>, vector<16xi32>], vector<16xf32>,
        %swap3A_289 = arith.constant 0 : i32
        %swap3A_290 = arith.constant 5 : i32
        %swap3A_291 = arith.index_cast %scan3A_121 : i32 to index
        %swap3A_292 = arith.index_cast %swap3A_289 : i32 to index
        %swap3A_293 = arith.index_cast %swap3A_290 : i32 to index
        %swap3A_294 = arith.constant 0 : index
        %swap3A_295 = tpu.vector_load %arg7[%swap3A_291, %swap3A_292, %swap3A_293, %swap3A_294] {strides = array<i32>} : memref<50x2x8x64xf32, #tpu.memory_space<vmem>>, vector<16xf32>,
        tpu.vector_store %arg7[%swap3A_291, %swap3A_292, %swap3A_293, %swap3A_294], %gather3A_288 {strides = array<i32>} : memref<50x2x8x64xf32, #tpu.memory_space<vmem>>, vector<16xf32>,
        %gather3A_296 = tpu.vector_load_idx %arg6[%add3A_125, %broadcast_in_dim3A_92] : memref<3200x16xf32, #tpu.memory_space<vmem>>[vector<16xi32>, vector<16xi32>], vector<16xf32>,
        %swap3A_297 = arith.constant 0 : i32
        %swap3A_298 = arith.constant 5 : i32
        %swap3A_299 = arith.index_cast %scan3A_121 : i32 to index
        %swap3A_300 = arith.index_cast %swap3A_297 : i32 to index
        %swap3A_301 = arith.index_cast %swap3A_298 : i32 to index
        %swap3A_302 = arith.constant 16 : index
        %swap3A_303 = tpu.vector_load %arg7[%swap3A_299, %swap3A_300, %swap3A_301, %swap3A_302] {strides = array<i32>} : memref<50x2x8x64xf32, #tpu.memory_space<vmem>>, vector<16xf32>,
        tpu.vector_store %arg7[%swap3A_299, %swap3A_300, %swap3A_301, %swap3A_302], %gather3A_296 {strides = array<i32>} : memref<50x2x8x64xf32, #tpu.memory_space<vmem>>, vector<16xf32>,
        %gather3A_304 = tpu.vector_load_idx %arg6[%add3A_127, %broadcast_in_dim3A_92] : memref<3200x16xf32, #tpu.memory_space<vmem>>[vector<16xi32>, vector<16xi32>], vector<16xf32>,
        %swap3A_305 = arith.constant 0 : i32
        %swap3A_306 = arith.constant 5 : i32
        %swap3A_307 = arith.index_cast %scan3A_121 : i32 to index
        %swap3A_308 = arith.index_cast %swap3A_305 : i32 to index
        %swap3A_309 = arith.index_cast %swap3A_306 : i32 to index
        %swap3A_310 = arith.constant 32 : index
        %swap3A_311 = tpu.vector_load %arg7[%swap3A_307, %swap3A_308, %swap3A_309, %swap3A_310] {strides = array<i32>} : memref<50x2x8x64xf32, #tpu.memory_space<vmem>>, vector<16xf32>,
        tpu.vector_store %arg7[%swap3A_307, %swap3A_308, %swap3A_309, %swap3A_310], %gather3A_304 {strides = array<i32>} : memref<50x2x8x64xf32, #tpu.memory_space<vmem>>, vector<16xf32>,
        %gather3A_312 = tpu.vector_load_idx %arg6[%add3A_129, %broadcast_in_dim3A_92] : memref<3200x16xf32, #tpu.memory_space<vmem>>[vector<16xi32>, vector<16xi32>], vector<16xf32>,
        %swap3A_313 = arith.constant 0 : i32
        %swap3A_314 = arith.constant 5 : i32
        %swap3A_315 = arith.index_cast %scan3A_121 : i32 to index
        %swap3A_316 = arith.index_cast %swap3A_313 : i32 to index
        %swap3A_317 = arith.index_cast %swap3A_314 : i32 to index
        %swap3A_318 = arith.constant 48 : index
        %swap3A_319 = tpu.vector_load %arg7[%swap3A_315, %swap3A_316, %swap3A_317, %swap3A_318] {strides = array<i32>} : memref<50x2x8x64xf32, #tpu.memory_space<vmem>>, vector<16xf32>,
        tpu.vector_store %arg7[%swap3A_315, %swap3A_316, %swap3A_317, %swap3A_318], %gather3A_312 {strides = array<i32>} : memref<50x2x8x64xf32, #tpu.memory_space<vmem>>, vector<16xf32>,
        %gather3A_320 = tpu.vector_load_idx %arg6[%add3A_123, %broadcast_in_dim3A_94] : memref<3200x16xf32, #tpu.memory_space<vmem>>[vector<16xi32>, vector<16xi32>], vector<16xf32>,
        %swap3A_321 = arith.constant 0 : i32
        %swap3A_322 = arith.constant 6 : i32
        %swap3A_323 = arith.index_cast %scan3A_121 : i32 to index
        %swap3A_324 = arith.index_cast %swap3A_321 : i32 to index
        %swap3A_325 = arith.index_cast %swap3A_322 : i32 to index
        %swap3A_326 = arith.constant 0 : index
        %swap3A_327 = tpu.vector_load %arg7[%swap3A_323, %swap3A_324, %swap3A_325, %swap3A_326] {strides = array<i32>} : memref<50x2x8x64xf32, #tpu.memory_space<vmem>>, vector<16xf32>,
        tpu.vector_store %arg7[%swap3A_323, %swap3A_324, %swap3A_325, %swap3A_326], %gather3A_320 {strides = array<i32>} : memref<50x2x8x64xf32, #tpu.memory_space<vmem>>, vector<16xf32>,
        %gather3A_328 = tpu.vector_load_idx %arg6[%add3A_125, %broadcast_in_dim3A_94] : memref<3200x16xf32, #tpu.memory_space<vmem>>[vector<16xi32>, vector<16xi32>], vector<16xf32>,
        %swap3A_329 = arith.constant 0 : i32
        %swap3A_330 = arith.constant 6 : i32
        %swap3A_331 = arith.index_cast %scan3A_121 : i32 to index
        %swap3A_332 = arith.index_cast %swap3A_329 : i32 to index
        %swap3A_333 = arith.index_cast %swap3A_330 : i32 to index
        %swap3A_334 = arith.constant 16 : index
        %swap3A_335 = tpu.vector_load %arg7[%swap3A_331, %swap3A_332, %swap3A_333, %swap3A_334] {strides = array<i32>} : memref<50x2x8x64xf32, #tpu.memory_space<vmem>>, vector<16xf32>,
        tpu.vector_store %arg7[%swap3A_331, %swap3A_332, %swap3A_333, %swap3A_334], %gather3A_328 {strides = array<i32>} : memref<50x2x8x64xf32, #tpu.memory_space<vmem>>, vector<16xf32>,
        %gather3A_336 = tpu.vector_load_idx %arg6[%add3A_127, %broadcast_in_dim3A_94] : memref<3200x16xf32, #tpu.memory_space<vmem>>[vector<16xi32>, vector<16xi32>], vector<16xf32>,
        %swap3A_337 = arith.constant 0 : i32
        %swap3A_338 = arith.constant 6 : i32
        %swap3A_339 = arith.index_cast %scan3A_121 : i32 to index
        %swap3A_340 = arith.index_cast %swap3A_337 : i32 to index
        %swap3A_341 = arith.index_cast %swap3A_338 : i32 to index
        %swap3A_342 = arith.constant 32 : index
        %swap3A_343 = tpu.vector_load %arg7[%swap3A_339, %swap3A_340, %swap3A_341, %swap3A_342] {strides = array<i32>} : memref<50x2x8x64xf32, #tpu.memory_space<vmem>>, vector<16xf32>,
        tpu.vector_store %arg7[%swap3A_339, %swap3A_340, %swap3A_341, %swap3A_342], %gather3A_336 {strides = array<i32>} : memref<50x2x8x64xf32, #tpu.memory_space<vmem>>, vector<16xf32>,
        %gather3A_344 = tpu.vector_load_idx %arg6[%add3A_129, %broadcast_in_dim3A_94] : memref<3200x16xf32, #tpu.memory_space<vmem>>[vector<16xi32>, vector<16xi32>], vector<16xf32>,
        %swap3A_345 = arith.constant 0 : i32
        %swap3A_346 = arith.constant 6 : i32
        %swap3A_347 = arith.index_cast %scan3A_121 : i32 to index
        %swap3A_348 = arith.index_cast %swap3A_345 : i32 to index
        %swap3A_349 = arith.index_cast %swap3A_346 : i32 to index
        %swap3A_350 = arith.constant 48 : index
        %swap3A_351 = tpu.vector_load %arg7[%swap3A_347, %swap3A_348, %swap3A_349, %swap3A_350] {strides = array<i32>} : memref<50x2x8x64xf32, #tpu.memory_space<vmem>>, vector<16xf32>,
        tpu.vector_store %arg7[%swap3A_347, %swap3A_348, %swap3A_349, %swap3A_350], %gather3A_344 {strides = array<i32>} : memref<50x2x8x64xf32, #tpu.memory_space<vmem>>, vector<16xf32>,
        %gather3A_352 = tpu.vector_load_idx %arg6[%add3A_123, %broadcast_in_dim3A_96] : memref<3200x16xf32, #tpu.memory_space<vmem>>[vector<16xi32>, vector<16xi32>], vector<16xf32>,
        %swap3A_353 = arith.constant 0 : i32
        %swap3A_354 = arith.constant 7 : i32
        %swap3A_355 = arith.index_cast %scan3A_121 : i32 to index
        %swap3A_356 = arith.index_cast %swap3A_353 : i32 to index
        %swap3A_357 = arith.index_cast %swap3A_354 : i32 to index
        %swap3A_358 = arith.constant 0 : index
        %swap3A_359 = tpu.vector_load %arg7[%swap3A_355, %swap3A_356, %swap3A_357, %swap3A_358] {strides = array<i32>} : memref<50x2x8x64xf32, #tpu.memory_space<vmem>>, vector<16xf32>,
        tpu.vector_store %arg7[%swap3A_355, %swap3A_356, %swap3A_357, %swap3A_358], %gather3A_352 {strides = array<i32>} : memref<50x2x8x64xf32, #tpu.memory_space<vmem>>, vector<16xf32>,
        %gather3A_360 = tpu.vector_load_idx %arg6[%add3A_125, %broadcast_in_dim3A_96] : memref<3200x16xf32, #tpu.memory_space<vmem>>[vector<16xi32>, vector<16xi32>], vector<16xf32>,
        %swap3A_361 = arith.constant 0 : i32
        %swap3A_362 = arith.constant 7 : i32
        %swap3A_363 = arith.index_cast %scan3A_121 : i32 to index
        %swap3A_364 = arith.index_cast %swap3A_361 : i32 to index
        %swap3A_365 = arith.index_cast %swap3A_362 : i32 to index
        %swap3A_366 = arith.constant 16 : index
        %swap3A_367 = tpu.vector_load %arg7[%swap3A_363, %swap3A_364, %swap3A_365, %swap3A_366] {strides = array<i32>} : memref<50x2x8x64xf32, #tpu.memory_space<vmem>>, vector<16xf32>,
        tpu.vector_store %arg7[%swap3A_363, %swap3A_364, %swap3A_365, %swap3A_366], %gather3A_360 {strides = array<i32>} : memref<50x2x8x64xf32, #tpu.memory_space<vmem>>, vector<16xf32>,
        %gather3A_368 = tpu.vector_load_idx %arg6[%add3A_127, %broadcast_in_dim3A_96] : memref<3200x16xf32, #tpu.memory_space<vmem>>[vector<16xi32>, vector<16xi32>], vector<16xf32>,
        %swap3A_369 = arith.constant 0 : i32
        %swap3A_370 = arith.constant 7 : i32
        %swap3A_371 = arith.index_cast %scan3A_121 : i32 to index
        %swap3A_372 = arith.index_cast %swap3A_369 : i32 to index
        %swap3A_373 = arith.index_cast %swap3A_370 : i32 to index
        %swap3A_374 = arith.constant 32 : index
        %swap3A_375 = tpu.vector_load %arg7[%swap3A_371, %swap3A_372, %swap3A_373, %swap3A_374] {strides = array<i32>} : memref<50x2x8x64xf32, #tpu.memory_space<vmem>>, vector<16xf32>,
        tpu.vector_store %arg7[%swap3A_371, %swap3A_372, %swap3A_373, %swap3A_374], %gather3A_368 {strides = array<i32>} : memref<50x2x8x64xf32, #tpu.memory_space<vmem>>, vector<16xf32>,
        %gather3A_376 = tpu.vector_load_idx %arg6[%add3A_129, %broadcast_in_dim3A_96] : memref<3200x16xf32, #tpu.memory_space<vmem>>[vector<16xi32>, vector<16xi32>], vector<16xf32>,
        %swap3A_377 = arith.constant 0 : i32
        %swap3A_378 = arith.constant 7 : i32
        %swap3A_379 = arith.index_cast %scan3A_121 : i32 to index
        %swap3A_380 = arith.index_cast %swap3A_377 : i32 to index
        %swap3A_381 = arith.index_cast %swap3A_378 : i32 to index
        %swap3A_382 = arith.constant 48 : index
        %swap3A_383 = tpu.vector_load %arg7[%swap3A_379, %swap3A_380, %swap3A_381, %swap3A_382] {strides = array<i32>} : memref<50x2x8x64xf32, #tpu.memory_space<vmem>>, vector<16xf32>,
        tpu.vector_store %arg7[%swap3A_379, %swap3A_380, %swap3A_381, %swap3A_382], %gather3A_376 {strides = array<i32>} : memref<50x2x8x64xf32, #tpu.memory_space<vmem>>, vector<16xf32>,
        %gather3A_384 = tpu.vector_load_idx %arg6[%add3A_123, %broadcast_in_dim3A_98] : memref<3200x16xf32, #tpu.memory_space<vmem>>[vector<16xi32>, vector<16xi32>], vector<16xf32>,
        %swap3A_385 = arith.constant 1 : i32
        %swap3A_386 = arith.constant 0 : i32
        %swap3A_387 = arith.index_cast %scan3A_121 : i32 to index
        %swap3A_388 = arith.index_cast %swap3A_385 : i32 to index
        %swap3A_389 = arith.index_cast %swap3A_386 : i32 to index
        %swap3A_390 = arith.constant 0 : index
        %swap3A_391 = tpu.vector_load %arg7[%swap3A_387, %swap3A_388, %swap3A_389, %swap3A_390] {strides = array<i32>} : memref<50x2x8x64xf32, #tpu.memory_space<vmem>>, vector<16xf32>,
        tpu.vector_store %arg7[%swap3A_387, %swap3A_388, %swap3A_389, %swap3A_390], %gather3A_384 {strides = array<i32>} : memref<50x2x8x64xf32, #tpu.memory_space<vmem>>, vector<16xf32>,
        %gather3A_392 = tpu.vector_load_idx %arg6[%add3A_125, %broadcast_in_dim3A_98] : memref<3200x16xf32, #tpu.memory_space<vmem>>[vector<16xi32>, vector<16xi32>], vector<16xf32>,
        %swap3A_393 = arith.constant 1 : i32
        %swap3A_394 = arith.constant 0 : i32
        %swap3A_395 = arith.index_cast %scan3A_121 : i32 to index
        %swap3A_396 = arith.index_cast %swap3A_393 : i32 to index
        %swap3A_397 = arith.index_cast %swap3A_394 : i32 to index
        %swap3A_398 = arith.constant 16 : index
        %swap3A_399 = tpu.vector_load %arg7[%swap3A_395, %swap3A_396, %swap3A_397, %swap3A_398] {strides = array<i32>} : memref<50x2x8x64xf32, #tpu.memory_space<vmem>>, vector<16xf32>,
        tpu.vector_store %arg7[%swap3A_395, %swap3A_396, %swap3A_397, %swap3A_398], %gather3A_392 {strides = array<i32>} : memref<50x2x8x64xf32, #tpu.memory_space<vmem>>, vector<16xf32>,
        %gather3A_400 = tpu.vector_load_idx %arg6[%add3A_127, %broadcast_in_dim3A_98] : memref<3200x16xf32, #tpu.memory_space<vmem>>[vector<16xi32>, vector<16xi32>], vector<16xf32>,
        %swap3A_401 = arith.constant 1 : i32
        %swap3A_402 = arith.constant 0 : i32
        %swap3A_403 = arith.index_cast %scan3A_121 : i32 to index
        %swap3A_404 = arith.index_cast %swap3A_401 : i32 to index
        %swap3A_405 = arith.index_cast %swap3A_402 : i32 to index
        %swap3A_406 = arith.constant 32 : index
        %swap3A_407 = tpu.vector_load %arg7[%swap3A_403, %swap3A_404, %swap3A_405, %swap3A_406] {strides = array<i32>} : memref<50x2x8x64xf32, #tpu.memory_space<vmem>>, vector<16xf32>,
        tpu.vector_store %arg7[%swap3A_403, %swap3A_404, %swap3A_405, %swap3A_406], %gather3A_400 {strides = array<i32>} : memref<50x2x8x64xf32, #tpu.memory_space<vmem>>, vector<16xf32>,
        %gather3A_408 = tpu.vector_load_idx %arg6[%add3A_129, %broadcast_in_dim3A_98] : memref<3200x16xf32, #tpu.memory_space<vmem>>[vector<16xi32>, vector<16xi32>], vector<16xf32>,
        %swap3A_409 = arith.constant 1 : i32
        %swap3A_410 = arith.constant 0 : i32
        %swap3A_411 = arith.index_cast %scan3A_121 : i32 to index
        %swap3A_412 = arith.index_cast %swap3A_409 : i32 to index
        %swap3A_413 = arith.index_cast %swap3A_410 : i32 to index
        %swap3A_414 = arith.constant 48 : index
        %swap3A_415 = tpu.vector_load %arg7[%swap3A_411, %swap3A_412, %swap3A_413, %swap3A_414] {strides = array<i32>} : memref<50x2x8x64xf32, #tpu.memory_space<vmem>>, vector<16xf32>,
        tpu.vector_store %arg7[%swap3A_411, %swap3A_412, %swap3A_413, %swap3A_414], %gather3A_408 {strides = array<i32>} : memref<50x2x8x64xf32, #tpu.memory_space<vmem>>, vector<16xf32>,
        %gather3A_416 = tpu.vector_load_idx %arg6[%add3A_123, %broadcast_in_dim3A_100] : memref<3200x16xf32, #tpu.memory_space<vmem>>[vector<16xi32>, vector<16xi32>], vector<16xf32>,
        %swap3A_417 = arith.constant 1 : i32
        %swap3A_418 = arith.constant 1 : i32
        %swap3A_419 = arith.index_cast %scan3A_121 : i32 to index
        %swap3A_420 = arith.index_cast %swap3A_417 : i32 to index
        %swap3A_421 = arith.index_cast %swap3A_418 : i32 to index
        %swap3A_422 = arith.constant 0 : index
        %swap3A_423 = tpu.vector_load %arg7[%swap3A_419, %swap3A_420, %swap3A_421, %swap3A_422] {strides = array<i32>} : memref<50x2x8x64xf32, #tpu.memory_space<vmem>>, vector<16xf32>,
        tpu.vector_store %arg7[%swap3A_419, %swap3A_420, %swap3A_421, %swap3A_422], %gather3A_416 {strides = array<i32>} : memref<50x2x8x64xf32, #tpu.memory_space<vmem>>, vector<16xf32>,
        %gather3A_424 = tpu.vector_load_idx %arg6[%add3A_125, %broadcast_in_dim3A_100] : memref<3200x16xf32, #tpu.memory_space<vmem>>[vector<16xi32>, vector<16xi32>], vector<16xf32>,
        %swap3A_425 = arith.constant 1 : i32
        %swap3A_426 = arith.constant 1 : i32
        %swap3A_427 = arith.index_cast %scan3A_121 : i32 to index
        %swap3A_428 = arith.index_cast %swap3A_425 : i32 to index
        %swap3A_429 = arith.index_cast %swap3A_426 : i32 to index
        %swap3A_430 = arith.constant 16 : index
        %swap3A_431 = tpu.vector_load %arg7[%swap3A_427, %swap3A_428, %swap3A_429, %swap3A_430] {strides = array<i32>} : memref<50x2x8x64xf32, #tpu.memory_space<vmem>>, vector<16xf32>,
        tpu.vector_store %arg7[%swap3A_427, %swap3A_428, %swap3A_429, %swap3A_430], %gather3A_424 {strides = array<i32>} : memref<50x2x8x64xf32, #tpu.memory_space<vmem>>, vector<16xf32>,
        %gather3A_432 = tpu.vector_load_idx %arg6[%add3A_127, %broadcast_in_dim3A_100] : memref<3200x16xf32, #tpu.memory_space<vmem>>[vector<16xi32>, vector<16xi32>], vector<16xf32>,
        %swap3A_433 = arith.constant 1 : i32
        %swap3A_434 = arith.constant 1 : i32
        %swap3A_435 = arith.index_cast %scan3A_121 : i32 to index
        %swap3A_436 = arith.index_cast %swap3A_433 : i32 to index
        %swap3A_437 = arith.index_cast %swap3A_434 : i32 to index
        %swap3A_438 = arith.constant 32 : index
        %swap3A_439 = tpu.vector_load %arg7[%swap3A_435, %swap3A_436, %swap3A_437, %swap3A_438] {strides = array<i32>} : memref<50x2x8x64xf32, #tpu.memory_space<vmem>>, vector<16xf32>,
        tpu.vector_store %arg7[%swap3A_435, %swap3A_436, %swap3A_437, %swap3A_438], %gather3A_432 {strides = array<i32>} : memref<50x2x8x64xf32, #tpu.memory_space<vmem>>, vector<16xf32>,
        %gather3A_440 = tpu.vector_load_idx %arg6[%add3A_129, %broadcast_in_dim3A_100] : memref<3200x16xf32, #tpu.memory_space<vmem>>[vector<16xi32>, vector<16xi32>], vector<16xf32>,
        %swap3A_441 = arith.constant 1 : i32
        %swap3A_442 = arith.constant 1 : i32
        %swap3A_443 = arith.index_cast %scan3A_121 : i32 to index
        %swap3A_444 = arith.index_cast %swap3A_441 : i32 to index
        %swap3A_445 = arith.index_cast %swap3A_442 : i32 to index
        %swap3A_446 = arith.constant 48 : index
        %swap3A_447 = tpu.vector_load %arg7[%swap3A_443, %swap3A_444, %swap3A_445, %swap3A_446] {strides = array<i32>} : memref<50x2x8x64xf32, #tpu.memory_space<vmem>>, vector<16xf32>,
        tpu.vector_store %arg7[%swap3A_443, %swap3A_444, %swap3A_445, %swap3A_446], %gather3A_440 {strides = array<i32>} : memref<50x2x8x64xf32, #tpu.memory_space<vmem>>, vector<16xf32>,
        %gather3A_448 = tpu.vector_load_idx %arg6[%add3A_123, %broadcast_in_dim3A_102] : memref<3200x16xf32, #tpu.memory_space<vmem>>[vector<16xi32>, vector<16xi32>], vector<16xf32>,
        %swap3A_449 = arith.constant 1 : i32
        %swap3A_450 = arith.constant 2 : i32
        %swap3A_451 = arith.index_cast %scan3A_121 : i32 to index
        %swap3A_452 = arith.index_cast %swap3A_449 : i32 to index
        %swap3A_453 = arith.index_cast %swap3A_450 : i32 to index
        %swap3A_454 = arith.constant 0 : index
        %swap3A_455 = tpu.vector_load %arg7[%swap3A_451, %swap3A_452, %swap3A_453, %swap3A_454] {strides = array<i32>} : memref<50x2x8x64xf32, #tpu.memory_space<vmem>>, vector<16xf32>,
        tpu.vector_store %arg7[%swap3A_451, %swap3A_452, %swap3A_453, %swap3A_454], %gather3A_448 {strides = array<i32>} : memref<50x2x8x64xf32, #tpu.memory_space<vmem>>, vector<16xf32>,
        %gather3A_456 = tpu.vector_load_idx %arg6[%add3A_125, %broadcast_in_dim3A_102] : memref<3200x16xf32, #tpu.memory_space<vmem>>[vector<16xi32>, vector<16xi32>], vector<16xf32>,
        %swap3A_457 = arith.constant 1 : i32
        %swap3A_458 = arith.constant 2 : i32
        %swap3A_459 = arith.index_cast %scan3A_121 : i32 to index
        %swap3A_460 = arith.index_cast %swap3A_457 : i32 to index
        %swap3A_461 = arith.index_cast %swap3A_458 : i32 to index
        %swap3A_462 = arith.constant 16 : index
        %swap3A_463 = tpu.vector_load %arg7[%swap3A_459, %swap3A_460, %swap3A_461, %swap3A_462] {strides = array<i32>} : memref<50x2x8x64xf32, #tpu.memory_space<vmem>>, vector<16xf32>,
        tpu.vector_store %arg7[%swap3A_459, %swap3A_460, %swap3A_461, %swap3A_462], %gather3A_456 {strides = array<i32>} : memref<50x2x8x64xf32, #tpu.memory_space<vmem>>, vector<16xf32>,
        %gather3A_464 = tpu.vector_load_idx %arg6[%add3A_127, %broadcast_in_dim3A_102] : memref<3200x16xf32, #tpu.memory_space<vmem>>[vector<16xi32>, vector<16xi32>], vector<16xf32>,
        %swap3A_465 = arith.constant 1 : i32
        %swap3A_466 = arith.constant 2 : i32
        %swap3A_467 = arith.index_cast %scan3A_121 : i32 to index
        %swap3A_468 = arith.index_cast %swap3A_465 : i32 to index
        %swap3A_469 = arith.index_cast %swap3A_466 : i32 to index
        %swap3A_470 = arith.constant 32 : index
        %swap3A_471 = tpu.vector_load %arg7[%swap3A_467, %swap3A_468, %swap3A_469, %swap3A_470] {strides = array<i32>} : memref<50x2x8x64xf32, #tpu.memory_space<vmem>>, vector<16xf32>,
        tpu.vector_store %arg7[%swap3A_467, %swap3A_468, %swap3A_469, %swap3A_470], %gather3A_464 {strides = array<i32>} : memref<50x2x8x64xf32, #tpu.memory_space<vmem>>, vector<16xf32>,
        %gather3A_472 = tpu.vector_load_idx %arg6[%add3A_129, %broadcast_in_dim3A_102] : memref<3200x16xf32, #tpu.memory_space<vmem>>[vector<16xi32>, vector<16xi32>], vector<16xf32>,
        %swap3A_473 = arith.constant 1 : i32
        %swap3A_474 = arith.constant 2 : i32
        %swap3A_475 = arith.index_cast %scan3A_121 : i32 to index
        %swap3A_476 = arith.index_cast %swap3A_473 : i32 to index
        %swap3A_477 = arith.index_cast %swap3A_474 : i32 to index
        %swap3A_478 = arith.constant 48 : index
        %swap3A_479 = tpu.vector_load %arg7[%swap3A_475, %swap3A_476, %swap3A_477, %swap3A_478] {strides = array<i32>} : memref<50x2x8x64xf32, #tpu.memory_space<vmem>>, vector<16xf32>,
        tpu.vector_store %arg7[%swap3A_475, %swap3A_476, %swap3A_477, %swap3A_478], %gather3A_472 {strides = array<i32>} : memref<50x2x8x64xf32, #tpu.memory_space<vmem>>, vector<16xf32>,
        %gather3A_480 = tpu.vector_load_idx %arg6[%add3A_123, %broadcast_in_dim3A_104] : memref<3200x16xf32, #tpu.memory_space<vmem>>[vector<16xi32>, vector<16xi32>], vector<16xf32>,
        %swap3A_481 = arith.constant 1 : i32
        %swap3A_482 = arith.constant 3 : i32
        %swap3A_483 = arith.index_cast %scan3A_121 : i32 to index
        %swap3A_484 = arith.index_cast %swap3A_481 : i32 to index
        %swap3A_485 = arith.index_cast %swap3A_482 : i32 to index
        %swap3A_486 = arith.constant 0 : index
        %swap3A_487 = tpu.vector_load %arg7[%swap3A_483, %swap3A_484, %swap3A_485, %swap3A_486] {strides = array<i32>} : memref<50x2x8x64xf32, #tpu.memory_space<vmem>>, vector<16xf32>,
        tpu.vector_store %arg7[%swap3A_483, %swap3A_484, %swap3A_485, %swap3A_486], %gather3A_480 {strides = array<i32>} : memref<50x2x8x64xf32, #tpu.memory_space<vmem>>, vector<16xf32>,
        %gather3A_488 = tpu.vector_load_idx %arg6[%add3A_125, %broadcast_in_dim3A_104] : memref<3200x16xf32, #tpu.memory_space<vmem>>[vector<16xi32>, vector<16xi32>], vector<16xf32>,
        %swap3A_489 = arith.constant 1 : i32
        %swap3A_490 = arith.constant 3 : i32
        %swap3A_491 = arith.index_cast %scan3A_121 : i32 to index
        %swap3A_492 = arith.index_cast %swap3A_489 : i32 to index
        %swap3A_493 = arith.index_cast %swap3A_490 : i32 to index
        %swap3A_494 = arith.constant 16 : index
        %swap3A_495 = tpu.vector_load %arg7[%swap3A_491, %swap3A_492, %swap3A_493, %swap3A_494] {strides = array<i32>} : memref<50x2x8x64xf32, #tpu.memory_space<vmem>>, vector<16xf32>,
        tpu.vector_store %arg7[%swap3A_491, %swap3A_492, %swap3A_493, %swap3A_494], %gather3A_488 {strides = array<i32>} : memref<50x2x8x64xf32, #tpu.memory_space<vmem>>, vector<16xf32>,
        %gather3A_496 = tpu.vector_load_idx %arg6[%add3A_127, %broadcast_in_dim3A_104] : memref<3200x16xf32, #tpu.memory_space<vmem>>[vector<16xi32>, vector<16xi32>], vector<16xf32>,
        %swap3A_497 = arith.constant 1 : i32
        %swap3A_498 = arith.constant 3 : i32
        %swap3A_499 = arith.index_cast %scan3A_121 : i32 to index
        %swap3A_500 = arith.index_cast %swap3A_497 : i32 to index
        %swap3A_501 = arith.index_cast %swap3A_498 : i32 to index
        %swap3A_502 = arith.constant 32 : index
        %swap3A_503 = tpu.vector_load %arg7[%swap3A_499, %swap3A_500, %swap3A_501, %swap3A_502] {strides = array<i32>} : memref<50x2x8x64xf32, #tpu.memory_space<vmem>>, vector<16xf32>,
        tpu.vector_store %arg7[%swap3A_499, %swap3A_500, %swap3A_501, %swap3A_502], %gather3A_496 {strides = array<i32>} : memref<50x2x8x64xf32, #tpu.memory_space<vmem>>, vector<16xf32>,
        %gather3A_504 = tpu.vector_load_idx %arg6[%add3A_129, %broadcast_in_dim3A_104] : memref<3200x16xf32, #tpu.memory_space<vmem>>[vector<16xi32>, vector<16xi32>], vector<16xf32>,
        %swap3A_505 = arith.constant 1 : i32
        %swap3A_506 = arith.constant 3 : i32
        %swap3A_507 = arith.index_cast %scan3A_121 : i32 to index
        %swap3A_508 = arith.index_cast %swap3A_505 : i32 to index
        %swap3A_509 = arith.index_cast %swap3A_506 : i32 to index
        %swap3A_510 = arith.constant 48 : index
        %swap3A_511 = tpu.vector_load %arg7[%swap3A_507, %swap3A_508, %swap3A_509, %swap3A_510] {strides = array<i32>} : memref<50x2x8x64xf32, #tpu.memory_space<vmem>>, vector<16xf32>,
        tpu.vector_store %arg7[%swap3A_507, %swap3A_508, %swap3A_509, %swap3A_510], %gather3A_504 {strides = array<i32>} : memref<50x2x8x64xf32, #tpu.memory_space<vmem>>, vector<16xf32>,
        %gather3A_512 = tpu.vector_load_idx %arg6[%add3A_123, %broadcast_in_dim3A_106] : memref<3200x16xf32, #tpu.memory_space<vmem>>[vector<16xi32>, vector<16xi32>], vector<16xf32>,
        %swap3A_513 = arith.constant 1 : i32
        %swap3A_514 = arith.constant 4 : i32
        %swap3A_515 = arith.index_cast %scan3A_121 : i32 to index
        %swap3A_516 = arith.index_cast %swap3A_513 : i32 to index
        %swap3A_517 = arith.index_cast %swap3A_514 : i32 to index
        %swap3A_518 = arith.constant 0 : index
        %swap3A_519 = tpu.vector_load %arg7[%swap3A_515, %swap3A_516, %swap3A_517, %swap3A_518] {strides = array<i32>} : memref<50x2x8x64xf32, #tpu.memory_space<vmem>>, vector<16xf32>,
        tpu.vector_store %arg7[%swap3A_515, %swap3A_516, %swap3A_517, %swap3A_518], %gather3A_512 {strides = array<i32>} : memref<50x2x8x64xf32, #tpu.memory_space<vmem>>, vector<16xf32>,
        %gather3A_520 = tpu.vector_load_idx %arg6[%add3A_125, %broadcast_in_dim3A_106] : memref<3200x16xf32, #tpu.memory_space<vmem>>[vector<16xi32>, vector<16xi32>], vector<16xf32>,
        %swap3A_521 = arith.constant 1 : i32
        %swap3A_522 = arith.constant 4 : i32
        %swap3A_523 = arith.index_cast %scan3A_121 : i32 to index
        %swap3A_524 = arith.index_cast %swap3A_521 : i32 to index
        %swap3A_525 = arith.index_cast %swap3A_522 : i32 to index
        %swap3A_526 = arith.constant 16 : index
        %swap3A_527 = tpu.vector_load %arg7[%swap3A_523, %swap3A_524, %swap3A_525, %swap3A_526] {strides = array<i32>} : memref<50x2x8x64xf32, #tpu.memory_space<vmem>>, vector<16xf32>,
        tpu.vector_store %arg7[%swap3A_523, %swap3A_524, %swap3A_525, %swap3A_526], %gather3A_520 {strides = array<i32>} : memref<50x2x8x64xf32, #tpu.memory_space<vmem>>, vector<16xf32>,
        %gather3A_528 = tpu.vector_load_idx %arg6[%add3A_127, %broadcast_in_dim3A_106] : memref<3200x16xf32, #tpu.memory_space<vmem>>[vector<16xi32>, vector<16xi32>], vector<16xf32>,
        %swap3A_529 = arith.constant 1 : i32
        %swap3A_530 = arith.constant 4 : i32
        %swap3A_531 = arith.index_cast %scan3A_121 : i32 to index
        %swap3A_532 = arith.index_cast %swap3A_529 : i32 to index
        %swap3A_533 = arith.index_cast %swap3A_530 : i32 to index
        %swap3A_534 = arith.constant 32 : index
        %swap3A_535 = tpu.vector_load %arg7[%swap3A_531, %swap3A_532, %swap3A_533, %swap3A_534] {strides = array<i32>} : memref<50x2x8x64xf32, #tpu.memory_space<vmem>>, vector<16xf32>,
        tpu.vector_store %arg7[%swap3A_531, %swap3A_532, %swap3A_533, %swap3A_534], %gather3A_528 {strides = array<i32>} : memref<50x2x8x64xf32, #tpu.memory_space<vmem>>, vector<16xf32>,
        %gather3A_536 = tpu.vector_load_idx %arg6[%add3A_129, %broadcast_in_dim3A_106] : memref<3200x16xf32, #tpu.memory_space<vmem>>[vector<16xi32>, vector<16xi32>], vector<16xf32>,
        %swap3A_537 = arith.constant 1 : i32
        %swap3A_538 = arith.constant 4 : i32
        %swap3A_539 = arith.index_cast %scan3A_121 : i32 to index
        %swap3A_540 = arith.index_cast %swap3A_537 : i32 to index
        %swap3A_541 = arith.index_cast %swap3A_538 : i32 to index
        %swap3A_542 = arith.constant 48 : index
        %swap3A_543 = tpu.vector_load %arg7[%swap3A_539, %swap3A_540, %swap3A_541, %swap3A_542] {strides = array<i32>} : memref<50x2x8x64xf32, #tpu.memory_space<vmem>>, vector<16xf32>,
        tpu.vector_store %arg7[%swap3A_539, %swap3A_540, %swap3A_541, %swap3A_542], %gather3A_536 {strides = array<i32>} : memref<50x2x8x64xf32, #tpu.memory_space<vmem>>, vector<16xf32>,
        %gather3A_544 = tpu.vector_load_idx %arg6[%add3A_123, %broadcast_in_dim3A_108] : memref<3200x16xf32, #tpu.memory_space<vmem>>[vector<16xi32>, vector<16xi32>], vector<16xf32>,
        %swap3A_545 = arith.constant 1 : i32
        %swap3A_546 = arith.constant 5 : i32
        %swap3A_547 = arith.index_cast %scan3A_121 : i32 to index
        %swap3A_548 = arith.index_cast %swap3A_545 : i32 to index
        %swap3A_549 = arith.index_cast %swap3A_546 : i32 to index
        %swap3A_550 = arith.constant 0 : index
        %swap3A_551 = tpu.vector_load %arg7[%swap3A_547, %swap3A_548, %swap3A_549, %swap3A_550] {strides = array<i32>} : memref<50x2x8x64xf32, #tpu.memory_space<vmem>>, vector<16xf32>,
        tpu.vector_store %arg7[%swap3A_547, %swap3A_548, %swap3A_549, %swap3A_550], %gather3A_544 {strides = array<i32>} : memref<50x2x8x64xf32, #tpu.memory_space<vmem>>, vector<16xf32>,
        %gather3A_552 = tpu.vector_load_idx %arg6[%add3A_125, %broadcast_in_dim3A_108] : memref<3200x16xf32, #tpu.memory_space<vmem>>[vector<16xi32>, vector<16xi32>], vector<16xf32>,
        %swap3A_553 = arith.constant 1 : i32
        %swap3A_554 = arith.constant 5 : i32
        %swap3A_555 = arith.index_cast %scan3A_121 : i32 to index
        %swap3A_556 = arith.index_cast %swap3A_553 : i32 to index
        %swap3A_557 = arith.index_cast %swap3A_554 : i32 to index
        %swap3A_558 = arith.constant 16 : index
        %swap3A_559 = tpu.vector_load %arg7[%swap3A_555, %swap3A_556, %swap3A_557, %swap3A_558] {strides = array<i32>} : memref<50x2x8x64xf32, #tpu.memory_space<vmem>>, vector<16xf32>,
        tpu.vector_store %arg7[%swap3A_555, %swap3A_556, %swap3A_557, %swap3A_558], %gather3A_552 {strides = array<i32>} : memref<50x2x8x64xf32, #tpu.memory_space<vmem>>, vector<16xf32>,
        %gather3A_560 = tpu.vector_load_idx %arg6[%add3A_127, %broadcast_in_dim3A_108] : memref<3200x16xf32, #tpu.memory_space<vmem>>[vector<16xi32>, vector<16xi32>], vector<16xf32>,
        %swap3A_561 = arith.constant 1 : i32
        %swap3A_562 = arith.constant 5 : i32
        %swap3A_563 = arith.index_cast %scan3A_121 : i32 to index
        %swap3A_564 = arith.index_cast %swap3A_561 : i32 to index
        %swap3A_565 = arith.index_cast %swap3A_562 : i32 to index
        %swap3A_566 = arith.constant 32 : index
        %swap3A_567 = tpu.vector_load %arg7[%swap3A_563, %swap3A_564, %swap3A_565, %swap3A_566] {strides = array<i32>} : memref<50x2x8x64xf32, #tpu.memory_space<vmem>>, vector<16xf32>,
        tpu.vector_store %arg7[%swap3A_563, %swap3A_564, %swap3A_565, %swap3A_566], %gather3A_560 {strides = array<i32>} : memref<50x2x8x64xf32, #tpu.memory_space<vmem>>, vector<16xf32>,
        %gather3A_568 = tpu.vector_load_idx %arg6[%add3A_129, %broadcast_in_dim3A_108] : memref<3200x16xf32, #tpu.memory_space<vmem>>[vector<16xi32>, vector<16xi32>], vector<16xf32>,
        %swap3A_569 = arith.constant 1 : i32
        %swap3A_570 = arith.constant 5 : i32
        %swap3A_571 = arith.index_cast %scan3A_121 : i32 to index
        %swap3A_572 = arith.index_cast %swap3A_569 : i32 to index
        %swap3A_573 = arith.index_cast %swap3A_570 : i32 to index
        %swap3A_574 = arith.constant 48 : index
        %swap3A_575 = tpu.vector_load %arg7[%swap3A_571, %swap3A_572, %swap3A_573, %swap3A_574] {strides = array<i32>} : memref<50x2x8x64xf32, #tpu.memory_space<vmem>>, vector<16xf32>,
        tpu.vector_store %arg7[%swap3A_571, %swap3A_572, %swap3A_573, %swap3A_574], %gather3A_568 {strides = array<i32>} : memref<50x2x8x64xf32, #tpu.memory_space<vmem>>, vector<16xf32>,
        %gather3A_576 = tpu.vector_load_idx %arg6[%add3A_123, %broadcast_in_dim3A_110] : memref<3200x16xf32, #tpu.memory_space<vmem>>[vector<16xi32>, vector<16xi32>], vector<16xf32>,
        %swap3A_577 = arith.constant 1 : i32
        %swap3A_578 = arith.constant 6 : i32
        %swap3A_579 = arith.index_cast %scan3A_121 : i32 to index
        %swap3A_580 = arith.index_cast %swap3A_577 : i32 to index
        %swap3A_581 = arith.index_cast %swap3A_578 : i32 to index
        %swap3A_582 = arith.constant 0 : index
        %swap3A_583 = tpu.vector_load %arg7[%swap3A_579, %swap3A_580, %swap3A_581, %swap3A_582] {strides = array<i32>} : memref<50x2x8x64xf32, #tpu.memory_space<vmem>>, vector<16xf32>,
        tpu.vector_store %arg7[%swap3A_579, %swap3A_580, %swap3A_581, %swap3A_582], %gather3A_576 {strides = array<i32>} : memref<50x2x8x64xf32, #tpu.memory_space<vmem>>, vector<16xf32>,
        %gather3A_584 = tpu.vector_load_idx %arg6[%add3A_125, %broadcast_in_dim3A_110] : memref<3200x16xf32, #tpu.memory_space<vmem>>[vector<16xi32>, vector<16xi32>], vector<16xf32>,
        %swap3A_585 = arith.constant 1 : i32
        %swap3A_586 = arith.constant 6 : i32
        %swap3A_587 = arith.index_cast %scan3A_121 : i32 to index
        %swap3A_588 = arith.index_cast %swap3A_585 : i32 to index
        %swap3A_589 = arith.index_cast %swap3A_586 : i32 to index
        %swap3A_590 = arith.constant 16 : index
        %swap3A_591 = tpu.vector_load %arg7[%swap3A_587, %swap3A_588, %swap3A_589, %swap3A_590] {strides = array<i32>} : memref<50x2x8x64xf32, #tpu.memory_space<vmem>>, vector<16xf32>,
        tpu.vector_store %arg7[%swap3A_587, %swap3A_588, %swap3A_589, %swap3A_590], %gather3A_584 {strides = array<i32>} : memref<50x2x8x64xf32, #tpu.memory_space<vmem>>, vector<16xf32>,
        %gather3A_592 = tpu.vector_load_idx %arg6[%add3A_127, %broadcast_in_dim3A_110] : memref<3200x16xf32, #tpu.memory_space<vmem>>[vector<16xi32>, vector<16xi32>], vector<16xf32>,
        %swap3A_593 = arith.constant 1 : i32
        %swap3A_594 = arith.constant 6 : i32
        %swap3A_595 = arith.index_cast %scan3A_121 : i32 to index
        %swap3A_596 = arith.index_cast %swap3A_593 : i32 to index
        %swap3A_597 = arith.index_cast %swap3A_594 : i32 to index
        %swap3A_598 = arith.constant 32 : index
        %swap3A_599 = tpu.vector_load %arg7[%swap3A_595, %swap3A_596, %swap3A_597, %swap3A_598] {strides = array<i32>} : memref<50x2x8x64xf32, #tpu.memory_space<vmem>>, vector<16xf32>,
        tpu.vector_store %arg7[%swap3A_595, %swap3A_596, %swap3A_597, %swap3A_598], %gather3A_592 {strides = array<i32>} : memref<50x2x8x64xf32, #tpu.memory_space<vmem>>, vector<16xf32>,
        %gather3A_600 = tpu.vector_load_idx %arg6[%add3A_129, %broadcast_in_dim3A_110] : memref<3200x16xf32, #tpu.memory_space<vmem>>[vector<16xi32>, vector<16xi32>], vector<16xf32>,
        %swap3A_601 = arith.constant 1 : i32
        %swap3A_602 = arith.constant 6 : i32
        %swap3A_603 = arith.index_cast %scan3A_121 : i32 to index
        %swap3A_604 = arith.index_cast %swap3A_601 : i32 to index
        %swap3A_605 = arith.index_cast %swap3A_602 : i32 to index
        %swap3A_606 = arith.constant 48 : index
        %swap3A_607 = tpu.vector_load %arg7[%swap3A_603, %swap3A_604, %swap3A_605, %swap3A_606] {strides = array<i32>} : memref<50x2x8x64xf32, #tpu.memory_space<vmem>>, vector<16xf32>,
        tpu.vector_store %arg7[%swap3A_603, %swap3A_604, %swap3A_605, %swap3A_606], %gather3A_600 {strides = array<i32>} : memref<50x2x8x64xf32, #tpu.memory_space<vmem>>, vector<16xf32>,
        %gather3A_608 = tpu.vector_load_idx %arg6[%add3A_123, %broadcast_in_dim3A_112] : memref<3200x16xf32, #tpu.memory_space<vmem>>[vector<16xi32>, vector<16xi32>], vector<16xf32>,
        %swap3A_609 = arith.constant 1 : i32
        %swap3A_610 = arith.constant 7 : i32
        %swap3A_611 = arith.index_cast %scan3A_121 : i32 to index
        %swap3A_612 = arith.index_cast %swap3A_609 : i32 to index
        %swap3A_613 = arith.index_cast %swap3A_610 : i32 to index
        %swap3A_614 = arith.constant 0 : index
        %swap3A_615 = tpu.vector_load %arg7[%swap3A_611, %swap3A_612, %swap3A_613, %swap3A_614] {strides = array<i32>} : memref<50x2x8x64xf32, #tpu.memory_space<vmem>>, vector<16xf32>,
        tpu.vector_store %arg7[%swap3A_611, %swap3A_612, %swap3A_613, %swap3A_614], %gather3A_608 {strides = array<i32>} : memref<50x2x8x64xf32, #tpu.memory_space<vmem>>, vector<16xf32>,
        %gather3A_616 = tpu.vector_load_idx %arg6[%add3A_125, %broadcast_in_dim3A_112] : memref<3200x16xf32, #tpu.memory_space<vmem>>[vector<16xi32>, vector<16xi32>], vector<16xf32>,
        %swap3A_617 = arith.constant 1 : i32
        %swap3A_618 = arith.constant 7 : i32
        %swap3A_619 = arith.index_cast %scan3A_121 : i32 to index
        %swap3A_620 = arith.index_cast %swap3A_617 : i32 to index
        %swap3A_621 = arith.index_cast %swap3A_618 : i32 to index
        %swap3A_622 = arith.constant 16 : index
        %swap3A_623 = tpu.vector_load %arg7[%swap3A_619, %swap3A_620, %swap3A_621, %swap3A_622] {strides = array<i32>} : memref<50x2x8x64xf32, #tpu.memory_space<vmem>>, vector<16xf32>,
        tpu.vector_store %arg7[%swap3A_619, %swap3A_620, %swap3A_621, %swap3A_622], %gather3A_616 {strides = array<i32>} : memref<50x2x8x64xf32, #tpu.memory_space<vmem>>, vector<16xf32>,
        %gather3A_624 = tpu.vector_load_idx %arg6[%add3A_127, %broadcast_in_dim3A_112] : memref<3200x16xf32, #tpu.memory_space<vmem>>[vector<16xi32>, vector<16xi32>], vector<16xf32>,
        %swap3A_625 = arith.constant 1 : i32
        %swap3A_626 = arith.constant 7 : i32
        %swap3A_627 = arith.index_cast %scan3A_121 : i32 to index
        %swap3A_628 = arith.index_cast %swap3A_625 : i32 to index
        %swap3A_629 = arith.index_cast %swap3A_626 : i32 to index
        %swap3A_630 = arith.constant 32 : index
        %swap3A_631 = tpu.vector_load %arg7[%swap3A_627, %swap3A_628, %swap3A_629, %swap3A_630] {strides = array<i32>} : memref<50x2x8x64xf32, #tpu.memory_space<vmem>>, vector<16xf32>,
        tpu.vector_store %arg7[%swap3A_627, %swap3A_628, %swap3A_629, %swap3A_630], %gather3A_624 {strides = array<i32>} : memref<50x2x8x64xf32, #tpu.memory_space<vmem>>, vector<16xf32>,
        %gather3A_632 = tpu.vector_load_idx %arg6[%add3A_129, %broadcast_in_dim3A_112] : memref<3200x16xf32, #tpu.memory_space<vmem>>[vector<16xi32>, vector<16xi32>], vector<16xf32>,
        %swap3A_633 = arith.constant 1 : i32
        %swap3A_634 = arith.constant 7 : i32
        %swap3A_635 = arith.index_cast %scan3A_121 : i32 to index
        %swap3A_636 = arith.index_cast %swap3A_633 : i32 to index
        %swap3A_637 = arith.index_cast %swap3A_634 : i32 to index
        %swap3A_638 = arith.constant 48 : index
        %swap3A_639 = tpu.vector_load %arg7[%swap3A_635, %swap3A_636, %swap3A_637, %swap3A_638] {strides = array<i32>} : memref<50x2x8x64xf32, #tpu.memory_space<vmem>>, vector<16xf32>,
        tpu.vector_store %arg7[%swap3A_635, %swap3A_636, %swap3A_637, %swap3A_638], %gather3A_632 {strides = array<i32>} : memref<50x2x8x64xf32, #tpu.memory_space<vmem>>, vector<16xf32>,
      }
      %scan3A_118 = arith.constant 50 : i32
      %mul3A_119 = arith.constant 64 : i32
      %mul3A_120 = arith.muli %select_n3A_36, %mul3A_119 : i32
      "tpu.region"() ({
        %run_scoped3A = tpu.sem_alloc : memref<!tpu.dma_semaphore, #tpu.memory_space<semaphore_mem>>
        %dma_start3A_121 = arith.constant 0 : i32
        %dma_start3A_122 = arith.constant 0 : i32
        %dma_start3A_123 = arith.constant 0 : i32
        %dma_start3A_124 = tpu.memref_slice %arg4[%dma_start3A_121, %dma_start3A_122, %add3A_39, %dma_start3A_123, %mul3A_120] : memref<50x2x128x8x128xf32, #tpu.memory_space<hbm>> -> memref<50x2x1x8x64xf32, #tpu.memory_space<hbm>>
        %dma_start3A_125 = tpu.memref_squeeze %dma_start3A_124 : memref<50x2x1x8x64xf32, #tpu.memory_space<hbm>> -> memref<50x2x8x64xf32, #tpu.memory_space<hbm>>
        %dma_start3A_126 = arith.constant 0 : i32
        %dma_start3A_127 = arith.constant 0 : i32
        %dma_start3A_128 = arith.constant 0 : i32
        %dma_start3A_129 = tpu.memref_slice %arg4[%dma_start3A_126, %dma_start3A_127, %add3A_39, %dma_start3A_128, %mul3A_120] : memref<50x2x128x8x128xf32, #tpu.memory_space<hbm>> -> memref<50x2x1x8x64xf32, #tpu.memory_space<hbm>>
        %dma_start3A_130 = tpu.memref_squeeze %dma_start3A_129 : memref<50x2x1x8x64xf32, #tpu.memory_space<hbm>> -> memref<50x2x8x64xf32, #tpu.memory_space<hbm>>
        tpu.enqueue_dma source(%arg7 : memref<50x2x8x64xf32, #tpu.memory_space<vmem>>) target(%dma_start3A_130 : memref<50x2x8x64xf32, #tpu.memory_space<hbm>>) target_semaphore(%run_scoped3A : memref<!tpu.dma_semaphore, #tpu.memory_space<semaphore_mem>>)
        %dma_wait3A_131 = arith.constant 0 : i32
        %dma_wait3A_132 = arith.constant 0 : i32
        %dma_wait3A_133 = arith.constant 0 : i32
        %dma_wait3A_134 = tpu.memref_slice %arg4[%dma_wait3A_131, %dma_wait3A_132, %add3A_39, %dma_wait3A_133, %mul3A_120] : memref<50x2x128x8x128xf32, #tpu.memory_space<hbm>> -> memref<50x2x1x8x64xf32, #tpu.memory_space<hbm>>
        %dma_wait3A_135 = tpu.memref_squeeze %dma_wait3A_134 : memref<50x2x1x8x64xf32, #tpu.memory_space<hbm>> -> memref<50x2x8x64xf32, #tpu.memory_space<hbm>>
        %dma_wait3A_136 = arith.constant 0 : i32
        %dma_wait3A_137 = arith.constant 0 : i32
        %dma_wait3A_138 = arith.constant 0 : i32
        %dma_wait3A_139 = tpu.memref_slice %arg4[%dma_wait3A_136, %dma_wait3A_137, %add3A_39, %dma_wait3A_138, %mul3A_120] : memref<50x2x128x8x128xf32, #tpu.memory_space<hbm>> -> memref<50x2x1x8x64xf32, #tpu.memory_space<hbm>>
        %dma_wait3A_140 = tpu.memref_squeeze %dma_wait3A_139 : memref<50x2x1x8x64xf32, #tpu.memory_space<hbm>> -> memref<50x2x8x64xf32, #tpu.memory_space<hbm>>
        tpu.wait_dma2 semaphore(%run_scoped3A : memref<!tpu.dma_semaphore, #tpu.memory_space<semaphore_mem>>) src(%arg7 : memref<50x2x8x64xf32, #tpu.memory_space<vmem>>) dst(%dma_wait3A_140 : memref<50x2x8x64xf32, #tpu.memory_space<hbm>>)
        tpu.yield
      }) : () -> ()
    }
    %scan3A_5 = arith.constant 8 : i32
    return
  }
}

module attributes {stable_mosaic.version = 14 : i64} {
  func.func @_pt_body(%arg0: i32, %arg1: memref<16x8192xf32, #tpu.memory_space<vmem>>, %arg2: memref<1024x128xf32, #tpu.memory_space<vmem>>) attributes {dimension_semantics = [#tpu.dimension_semantics<arbitrary>], iteration_bounds = array<i64: 123>, scalar_prefetch = 0 : i64, scratch_operands = 0 : i64, tpu.core_type = #tpu.core_type<tc>, window_params = [{transform_indices = @transform_0, window_bounds = array<i64: 16, 8192>}, {transform_indices = @transform_1, window_bounds = array<i64: 1024, 128>}]} {
    %get3A = arith.constant 0 : index
    %get3A_0 = arith.constant 0 : index
    %get3A_1 = vector.load %arg1[%get3A, %get3A_0] : memref<16x8192xf32, #tpu.memory_space<vmem>>, vector<16x8192xf32>
    %transpose3A = tpu.transpose %get3A_1, [1, 0] : vector<16x8192xf32> -> vector<8192x16xf32>
    %reshape3A = vector.shape_cast %transpose3A : vector<8192x16xf32> to vector<1024x8x16xf32>
    %slice3A = vector.extract_strided_slice %reshape3A {offsets = [0, 0, 0], sizes = [1024, 1, 16], strides = [1, 1, 1]} : vector<1024x8x16xf32> to vector<1024x1x16xf32>
    %squeeze3A = vector.shape_cast %slice3A : vector<1024x1x16xf32> to vector<1024x16xf32>
    %swap3A = arith.constant 0 : index
    %swap3A_2 = arith.constant 0 : index
    %swap3A_3 = vector.load %arg2[%swap3A, %swap3A_2] : memref<1024x128xf32, #tpu.memory_space<vmem>>, vector<1024x16xf32>
    tpu.vector_store %arg2[%swap3A, %swap3A_2], %squeeze3A {strides = array<i32>} : memref<1024x128xf32, #tpu.memory_space<vmem>>, vector<1024x16xf32>,
    %slice3A_4 = vector.extract_strided_slice %reshape3A {offsets = [0, 1, 0], sizes = [1024, 1, 16], strides = [1, 1, 1]} : vector<1024x8x16xf32> to vector<1024x1x16xf32>
    %squeeze3A_5 = vector.shape_cast %slice3A_4 : vector<1024x1x16xf32> to vector<1024x16xf32>
    %swap3A_6 = arith.constant 0 : index
    %swap3A_7 = arith.constant 16 : index
    %swap3A_8 = vector.load %arg2[%swap3A_6, %swap3A_7] : memref<1024x128xf32, #tpu.memory_space<vmem>>, vector<1024x16xf32>
    tpu.vector_store %arg2[%swap3A_6, %swap3A_7], %squeeze3A_5 {strides = array<i32>} : memref<1024x128xf32, #tpu.memory_space<vmem>>, vector<1024x16xf32>,
    %slice3A_9 = vector.extract_strided_slice %reshape3A {offsets = [0, 2, 0], sizes = [1024, 1, 16], strides = [1, 1, 1]} : vector<1024x8x16xf32> to vector<1024x1x16xf32>
    %squeeze3A_10 = vector.shape_cast %slice3A_9 : vector<1024x1x16xf32> to vector<1024x16xf32>
    %swap3A_11 = arith.constant 0 : index
    %swap3A_12 = arith.constant 32 : index
    %swap3A_13 = vector.load %arg2[%swap3A_11, %swap3A_12] : memref<1024x128xf32, #tpu.memory_space<vmem>>, vector<1024x16xf32>
    tpu.vector_store %arg2[%swap3A_11, %swap3A_12], %squeeze3A_10 {strides = array<i32>} : memref<1024x128xf32, #tpu.memory_space<vmem>>, vector<1024x16xf32>,
    %slice3A_14 = vector.extract_strided_slice %reshape3A {offsets = [0, 3, 0], sizes = [1024, 1, 16], strides = [1, 1, 1]} : vector<1024x8x16xf32> to vector<1024x1x16xf32>
    %squeeze3A_15 = vector.shape_cast %slice3A_14 : vector<1024x1x16xf32> to vector<1024x16xf32>
    %swap3A_16 = arith.constant 0 : index
    %swap3A_17 = arith.constant 48 : index
    %swap3A_18 = vector.load %arg2[%swap3A_16, %swap3A_17] : memref<1024x128xf32, #tpu.memory_space<vmem>>, vector<1024x16xf32>
    tpu.vector_store %arg2[%swap3A_16, %swap3A_17], %squeeze3A_15 {strides = array<i32>} : memref<1024x128xf32, #tpu.memory_space<vmem>>, vector<1024x16xf32>,
    %slice3A_19 = vector.extract_strided_slice %reshape3A {offsets = [0, 4, 0], sizes = [1024, 1, 16], strides = [1, 1, 1]} : vector<1024x8x16xf32> to vector<1024x1x16xf32>
    %squeeze3A_20 = vector.shape_cast %slice3A_19 : vector<1024x1x16xf32> to vector<1024x16xf32>
    %swap3A_21 = arith.constant 0 : index
    %swap3A_22 = arith.constant 64 : index
    %swap3A_23 = vector.load %arg2[%swap3A_21, %swap3A_22] : memref<1024x128xf32, #tpu.memory_space<vmem>>, vector<1024x16xf32>
    tpu.vector_store %arg2[%swap3A_21, %swap3A_22], %squeeze3A_20 {strides = array<i32>} : memref<1024x128xf32, #tpu.memory_space<vmem>>, vector<1024x16xf32>,
    %slice3A_24 = vector.extract_strided_slice %reshape3A {offsets = [0, 5, 0], sizes = [1024, 1, 16], strides = [1, 1, 1]} : vector<1024x8x16xf32> to vector<1024x1x16xf32>
    %squeeze3A_25 = vector.shape_cast %slice3A_24 : vector<1024x1x16xf32> to vector<1024x16xf32>
    %swap3A_26 = arith.constant 0 : index
    %swap3A_27 = arith.constant 80 : index
    %swap3A_28 = vector.load %arg2[%swap3A_26, %swap3A_27] : memref<1024x128xf32, #tpu.memory_space<vmem>>, vector<1024x16xf32>
    tpu.vector_store %arg2[%swap3A_26, %swap3A_27], %squeeze3A_25 {strides = array<i32>} : memref<1024x128xf32, #tpu.memory_space<vmem>>, vector<1024x16xf32>,
    %slice3A_29 = vector.extract_strided_slice %reshape3A {offsets = [0, 6, 0], sizes = [1024, 1, 16], strides = [1, 1, 1]} : vector<1024x8x16xf32> to vector<1024x1x16xf32>
    %squeeze3A_30 = vector.shape_cast %slice3A_29 : vector<1024x1x16xf32> to vector<1024x16xf32>
    %swap3A_31 = arith.constant 0 : index
    %swap3A_32 = arith.constant 96 : index
    %swap3A_33 = vector.load %arg2[%swap3A_31, %swap3A_32] : memref<1024x128xf32, #tpu.memory_space<vmem>>, vector<1024x16xf32>
    tpu.vector_store %arg2[%swap3A_31, %swap3A_32], %squeeze3A_30 {strides = array<i32>} : memref<1024x128xf32, #tpu.memory_space<vmem>>, vector<1024x16xf32>,
    %slice3A_34 = vector.extract_strided_slice %reshape3A {offsets = [0, 7, 0], sizes = [1024, 1, 16], strides = [1, 1, 1]} : vector<1024x8x16xf32> to vector<1024x1x16xf32>
    %squeeze3A_35 = vector.shape_cast %slice3A_34 : vector<1024x1x16xf32> to vector<1024x16xf32>
    %swap3A_36 = arith.constant 0 : index
    %swap3A_37 = arith.constant 112 : index
    %swap3A_38 = vector.load %arg2[%swap3A_36, %swap3A_37] : memref<1024x128xf32, #tpu.memory_space<vmem>>, vector<1024x16xf32>
    tpu.vector_store %arg2[%swap3A_36, %swap3A_37], %squeeze3A_35 {strides = array<i32>} : memref<1024x128xf32, #tpu.memory_space<vmem>>, vector<1024x16xf32>,
    return
  }
  func.func @transform_0(%arg0: i32) -> (i32, i32) {
    %c0_i32 = arith.constant 0 : i32
    %c0_i32_0 = arith.constant 0 : i32
    return %c0_i32, %arg0 : i32, i32
  }
  func.func @transform_1(%arg0: i32) -> (i32, i32) {
    %c0_i32 = arith.constant 0 : i32
    %c0_i32_0 = arith.constant 0 : i32
    return %arg0, %c0_i32 : i32, i32
  }
}

module attributes {stable_mosaic.version = 14 : i64} {
  func.func @_mm_body(%arg0: i32, %arg1: i32, %arg2: memref<1x2x32x8x128xf32, #tpu.memory_space<vmem>>, %arg3: memref<64x16xf32, #tpu.memory_space<vmem>>, %arg4: memref<1x64x4096xf32, #tpu.memory_space<vmem>>) attributes {dimension_semantics = [#tpu.dimension_semantics<arbitrary>, #tpu.dimension_semantics<arbitrary>], iteration_bounds = array<i64: 50, 4>, scalar_prefetch = 0 : i64, scratch_operands = 0 : i64, tpu.core_type = #tpu.core_type<tc>, window_params = [{transform_indices = @transform_0, window_bounds = array<i64: 1, 2, 32, 8, 128>}, {pipeline_mode = #tpu.pipeline_mode<synchronous>, transform_indices = @transform_1, window_bounds = array<i64: 64, 16>}, {transform_indices = @transform_2, window_bounds = array<i64: 1, 64, 4096>}]} {
    %get3A = arith.constant 0 : index
    %get3A_0 = arith.constant 0 : index
    %get3A_1 = vector.load %arg3[%get3A, %get3A_0] : memref<64x16xf32, #tpu.memory_space<vmem>>, vector<64x16xf32>
    %get3A_2 = arith.constant 0 : index
    %get3A_3 = arith.constant 0 : index
    %get3A_4 = arith.constant 0 : index
    %get3A_5 = arith.constant 0 : index
    %get3A_6 = arith.constant 0 : index
    %get3A_7 = vector.load %arg2[%get3A_2, %get3A_3, %get3A_4, %get3A_5, %get3A_6] : memref<1x2x32x8x128xf32, #tpu.memory_space<vmem>>, vector<1x1x1x8x128xf32>
    %get3A_8 = vector.shape_cast %get3A_7 : vector<1x1x1x8x128xf32> to vector<8x128xf32>
    %get3A_9 = arith.constant 0 : index
    %get3A_10 = arith.constant 1 : index
    %get3A_11 = arith.constant 0 : index
    %get3A_12 = arith.constant 0 : index
    %get3A_13 = arith.constant 0 : index
    %get3A_14 = vector.load %arg2[%get3A_9, %get3A_10, %get3A_11, %get3A_12, %get3A_13] : memref<1x2x32x8x128xf32, #tpu.memory_space<vmem>>, vector<1x1x1x8x128xf32>
    %get3A_15 = vector.shape_cast %get3A_14 : vector<1x1x1x8x128xf32> to vector<8x128xf32>
    %concatenate3A = tpu.concatenate %get3A_8, %get3A_15 in 0 : vector<8x128xf32>, vector<8x128xf32> -> vector<16x128xf32>
    %dot_general3A = arith.constant dense<0.000000e+00> : vector<64x128xf32>
    %dot_general3A_16 = tpu.matmul %get3A_1, %concatenate3A, %dot_general3A {dimension_numbers = #tpu.dot_dimension_numbers<[1], [0], [0], [1], [0, 0, 1, 1], [], []>, transpose_lhs_hint = false} : vector<64x16xf32>, vector<16x128xf32>, vector<64x128xf32> -> vector<64x128xf32>
    %swap3A = arith.constant 0 : index
    %swap3A_17 = arith.constant 0 : index
    %swap3A_18 = arith.constant 0 : index
    %swap3A_19 = vector.load %arg4[%swap3A, %swap3A_17, %swap3A_18] : memref<1x64x4096xf32, #tpu.memory_space<vmem>>, vector<1x64x128xf32>
    %swap3A_20 = vector.shape_cast %swap3A_19 : vector<1x64x128xf32> to vector<64x128xf32>
    %swap3A_21 = vector.shape_cast %dot_general3A_16 : vector<64x128xf32> to vector<1x64x128xf32>
    tpu.vector_store %arg4[%swap3A, %swap3A_17, %swap3A_18], %swap3A_21 {strides = array<i32>} : memref<1x64x4096xf32, #tpu.memory_space<vmem>>, vector<1x64x128xf32>,
    %get3A_22 = arith.constant 0 : index
    %get3A_23 = arith.constant 0 : index
    %get3A_24 = arith.constant 1 : index
    %get3A_25 = arith.constant 0 : index
    %get3A_26 = arith.constant 0 : index
    %get3A_27 = vector.load %arg2[%get3A_22, %get3A_23, %get3A_24, %get3A_25, %get3A_26] : memref<1x2x32x8x128xf32, #tpu.memory_space<vmem>>, vector<1x1x1x8x128xf32>
    %get3A_28 = vector.shape_cast %get3A_27 : vector<1x1x1x8x128xf32> to vector<8x128xf32>
    %get3A_29 = arith.constant 0 : index
    %get3A_30 = arith.constant 1 : index
    %get3A_31 = arith.constant 1 : index
    %get3A_32 = arith.constant 0 : index
    %get3A_33 = arith.constant 0 : index
    %get3A_34 = vector.load %arg2[%get3A_29, %get3A_30, %get3A_31, %get3A_32, %get3A_33] : memref<1x2x32x8x128xf32, #tpu.memory_space<vmem>>, vector<1x1x1x8x128xf32>
    %get3A_35 = vector.shape_cast %get3A_34 : vector<1x1x1x8x128xf32> to vector<8x128xf32>
    %concatenate3A_36 = tpu.concatenate %get3A_28, %get3A_35 in 0 : vector<8x128xf32>, vector<8x128xf32> -> vector<16x128xf32>
    %dot_general3A_37 = arith.constant dense<0.000000e+00> : vector<64x128xf32>
    %dot_general3A_38 = tpu.matmul %get3A_1, %concatenate3A_36, %dot_general3A_37 {dimension_numbers = #tpu.dot_dimension_numbers<[1], [0], [0], [1], [0, 0, 1, 1], [], []>, transpose_lhs_hint = false} : vector<64x16xf32>, vector<16x128xf32>, vector<64x128xf32> -> vector<64x128xf32>
    %swap3A_39 = arith.constant 0 : index
    %swap3A_40 = arith.constant 0 : index
    %swap3A_41 = arith.constant 128 : index
    %swap3A_42 = vector.load %arg4[%swap3A_39, %swap3A_40, %swap3A_41] : memref<1x64x4096xf32, #tpu.memory_space<vmem>>, vector<1x64x128xf32>
    %swap3A_43 = vector.shape_cast %swap3A_42 : vector<1x64x128xf32> to vector<64x128xf32>
    %swap3A_44 = vector.shape_cast %dot_general3A_38 : vector<64x128xf32> to vector<1x64x128xf32>
    tpu.vector_store %arg4[%swap3A_39, %swap3A_40, %swap3A_41], %swap3A_44 {strides = array<i32>} : memref<1x64x4096xf32, #tpu.memory_space<vmem>>, vector<1x64x128xf32>,
    %get3A_45 = arith.constant 0 : index
    %get3A_46 = arith.constant 0 : index
    %get3A_47 = arith.constant 2 : index
    %get3A_48 = arith.constant 0 : index
    %get3A_49 = arith.constant 0 : index
    %get3A_50 = vector.load %arg2[%get3A_45, %get3A_46, %get3A_47, %get3A_48, %get3A_49] : memref<1x2x32x8x128xf32, #tpu.memory_space<vmem>>, vector<1x1x1x8x128xf32>
    %get3A_51 = vector.shape_cast %get3A_50 : vector<1x1x1x8x128xf32> to vector<8x128xf32>
    %get3A_52 = arith.constant 0 : index
    %get3A_53 = arith.constant 1 : index
    %get3A_54 = arith.constant 2 : index
    %get3A_55 = arith.constant 0 : index
    %get3A_56 = arith.constant 0 : index
    %get3A_57 = vector.load %arg2[%get3A_52, %get3A_53, %get3A_54, %get3A_55, %get3A_56] : memref<1x2x32x8x128xf32, #tpu.memory_space<vmem>>, vector<1x1x1x8x128xf32>
    %get3A_58 = vector.shape_cast %get3A_57 : vector<1x1x1x8x128xf32> to vector<8x128xf32>
    %concatenate3A_59 = tpu.concatenate %get3A_51, %get3A_58 in 0 : vector<8x128xf32>, vector<8x128xf32> -> vector<16x128xf32>
    %dot_general3A_60 = arith.constant dense<0.000000e+00> : vector<64x128xf32>
    %dot_general3A_61 = tpu.matmul %get3A_1, %concatenate3A_59, %dot_general3A_60 {dimension_numbers = #tpu.dot_dimension_numbers<[1], [0], [0], [1], [0, 0, 1, 1], [], []>, transpose_lhs_hint = false} : vector<64x16xf32>, vector<16x128xf32>, vector<64x128xf32> -> vector<64x128xf32>
    %swap3A_62 = arith.constant 0 : index
    %swap3A_63 = arith.constant 0 : index
    %swap3A_64 = arith.constant 256 : index
    %swap3A_65 = vector.load %arg4[%swap3A_62, %swap3A_63, %swap3A_64] : memref<1x64x4096xf32, #tpu.memory_space<vmem>>, vector<1x64x128xf32>
    %swap3A_66 = vector.shape_cast %swap3A_65 : vector<1x64x128xf32> to vector<64x128xf32>
    %swap3A_67 = vector.shape_cast %dot_general3A_61 : vector<64x128xf32> to vector<1x64x128xf32>
    tpu.vector_store %arg4[%swap3A_62, %swap3A_63, %swap3A_64], %swap3A_67 {strides = array<i32>} : memref<1x64x4096xf32, #tpu.memory_space<vmem>>, vector<1x64x128xf32>,
    %get3A_68 = arith.constant 0 : index
    %get3A_69 = arith.constant 0 : index
    %get3A_70 = arith.constant 3 : index
    %get3A_71 = arith.constant 0 : index
    %get3A_72 = arith.constant 0 : index
    %get3A_73 = vector.load %arg2[%get3A_68, %get3A_69, %get3A_70, %get3A_71, %get3A_72] : memref<1x2x32x8x128xf32, #tpu.memory_space<vmem>>, vector<1x1x1x8x128xf32>
    %get3A_74 = vector.shape_cast %get3A_73 : vector<1x1x1x8x128xf32> to vector<8x128xf32>
    %get3A_75 = arith.constant 0 : index
    %get3A_76 = arith.constant 1 : index
    %get3A_77 = arith.constant 3 : index
    %get3A_78 = arith.constant 0 : index
    %get3A_79 = arith.constant 0 : index
    %get3A_80 = vector.load %arg2[%get3A_75, %get3A_76, %get3A_77, %get3A_78, %get3A_79] : memref<1x2x32x8x128xf32, #tpu.memory_space<vmem>>, vector<1x1x1x8x128xf32>
    %get3A_81 = vector.shape_cast %get3A_80 : vector<1x1x1x8x128xf32> to vector<8x128xf32>
    %concatenate3A_82 = tpu.concatenate %get3A_74, %get3A_81 in 0 : vector<8x128xf32>, vector<8x128xf32> -> vector<16x128xf32>
    %dot_general3A_83 = arith.constant dense<0.000000e+00> : vector<64x128xf32>
    %dot_general3A_84 = tpu.matmul %get3A_1, %concatenate3A_82, %dot_general3A_83 {dimension_numbers = #tpu.dot_dimension_numbers<[1], [0], [0], [1], [0, 0, 1, 1], [], []>, transpose_lhs_hint = false} : vector<64x16xf32>, vector<16x128xf32>, vector<64x128xf32> -> vector<64x128xf32>
    %swap3A_85 = arith.constant 0 : index
    %swap3A_86 = arith.constant 0 : index
    %swap3A_87 = arith.constant 384 : index
    %swap3A_88 = vector.load %arg4[%swap3A_85, %swap3A_86, %swap3A_87] : memref<1x64x4096xf32, #tpu.memory_space<vmem>>, vector<1x64x128xf32>
    %swap3A_89 = vector.shape_cast %swap3A_88 : vector<1x64x128xf32> to vector<64x128xf32>
    %swap3A_90 = vector.shape_cast %dot_general3A_84 : vector<64x128xf32> to vector<1x64x128xf32>
    tpu.vector_store %arg4[%swap3A_85, %swap3A_86, %swap3A_87], %swap3A_90 {strides = array<i32>} : memref<1x64x4096xf32, #tpu.memory_space<vmem>>, vector<1x64x128xf32>,
    %get3A_91 = arith.constant 0 : index
    %get3A_92 = arith.constant 0 : index
    %get3A_93 = arith.constant 4 : index
    %get3A_94 = arith.constant 0 : index
    %get3A_95 = arith.constant 0 : index
    %get3A_96 = vector.load %arg2[%get3A_91, %get3A_92, %get3A_93, %get3A_94, %get3A_95] : memref<1x2x32x8x128xf32, #tpu.memory_space<vmem>>, vector<1x1x1x8x128xf32>
    %get3A_97 = vector.shape_cast %get3A_96 : vector<1x1x1x8x128xf32> to vector<8x128xf32>
    %get3A_98 = arith.constant 0 : index
    %get3A_99 = arith.constant 1 : index
    %get3A_100 = arith.constant 4 : index
    %get3A_101 = arith.constant 0 : index
    %get3A_102 = arith.constant 0 : index
    %get3A_103 = vector.load %arg2[%get3A_98, %get3A_99, %get3A_100, %get3A_101, %get3A_102] : memref<1x2x32x8x128xf32, #tpu.memory_space<vmem>>, vector<1x1x1x8x128xf32>
    %get3A_104 = vector.shape_cast %get3A_103 : vector<1x1x1x8x128xf32> to vector<8x128xf32>
    %concatenate3A_105 = tpu.concatenate %get3A_97, %get3A_104 in 0 : vector<8x128xf32>, vector<8x128xf32> -> vector<16x128xf32>
    %dot_general3A_106 = arith.constant dense<0.000000e+00> : vector<64x128xf32>
    %dot_general3A_107 = tpu.matmul %get3A_1, %concatenate3A_105, %dot_general3A_106 {dimension_numbers = #tpu.dot_dimension_numbers<[1], [0], [0], [1], [0, 0, 1, 1], [], []>, transpose_lhs_hint = false} : vector<64x16xf32>, vector<16x128xf32>, vector<64x128xf32> -> vector<64x128xf32>
    %swap3A_108 = arith.constant 0 : index
    %swap3A_109 = arith.constant 0 : index
    %swap3A_110 = arith.constant 512 : index
    %swap3A_111 = vector.load %arg4[%swap3A_108, %swap3A_109, %swap3A_110] : memref<1x64x4096xf32, #tpu.memory_space<vmem>>, vector<1x64x128xf32>
    %swap3A_112 = vector.shape_cast %swap3A_111 : vector<1x64x128xf32> to vector<64x128xf32>
    %swap3A_113 = vector.shape_cast %dot_general3A_107 : vector<64x128xf32> to vector<1x64x128xf32>
    tpu.vector_store %arg4[%swap3A_108, %swap3A_109, %swap3A_110], %swap3A_113 {strides = array<i32>} : memref<1x64x4096xf32, #tpu.memory_space<vmem>>, vector<1x64x128xf32>,
    %get3A_114 = arith.constant 0 : index
    %get3A_115 = arith.constant 0 : index
    %get3A_116 = arith.constant 5 : index
    %get3A_117 = arith.constant 0 : index
    %get3A_118 = arith.constant 0 : index
    %get3A_119 = vector.load %arg2[%get3A_114, %get3A_115, %get3A_116, %get3A_117, %get3A_118] : memref<1x2x32x8x128xf32, #tpu.memory_space<vmem>>, vector<1x1x1x8x128xf32>
    %get3A_120 = vector.shape_cast %get3A_119 : vector<1x1x1x8x128xf32> to vector<8x128xf32>
    %get3A_121 = arith.constant 0 : index
    %get3A_122 = arith.constant 1 : index
    %get3A_123 = arith.constant 5 : index
    %get3A_124 = arith.constant 0 : index
    %get3A_125 = arith.constant 0 : index
    %get3A_126 = vector.load %arg2[%get3A_121, %get3A_122, %get3A_123, %get3A_124, %get3A_125] : memref<1x2x32x8x128xf32, #tpu.memory_space<vmem>>, vector<1x1x1x8x128xf32>
    %get3A_127 = vector.shape_cast %get3A_126 : vector<1x1x1x8x128xf32> to vector<8x128xf32>
    %concatenate3A_128 = tpu.concatenate %get3A_120, %get3A_127 in 0 : vector<8x128xf32>, vector<8x128xf32> -> vector<16x128xf32>
    %dot_general3A_129 = arith.constant dense<0.000000e+00> : vector<64x128xf32>
    %dot_general3A_130 = tpu.matmul %get3A_1, %concatenate3A_128, %dot_general3A_129 {dimension_numbers = #tpu.dot_dimension_numbers<[1], [0], [0], [1], [0, 0, 1, 1], [], []>, transpose_lhs_hint = false} : vector<64x16xf32>, vector<16x128xf32>, vector<64x128xf32> -> vector<64x128xf32>
    %swap3A_131 = arith.constant 0 : index
    %swap3A_132 = arith.constant 0 : index
    %swap3A_133 = arith.constant 640 : index
    %swap3A_134 = vector.load %arg4[%swap3A_131, %swap3A_132, %swap3A_133] : memref<1x64x4096xf32, #tpu.memory_space<vmem>>, vector<1x64x128xf32>
    %swap3A_135 = vector.shape_cast %swap3A_134 : vector<1x64x128xf32> to vector<64x128xf32>
    %swap3A_136 = vector.shape_cast %dot_general3A_130 : vector<64x128xf32> to vector<1x64x128xf32>
    tpu.vector_store %arg4[%swap3A_131, %swap3A_132, %swap3A_133], %swap3A_136 {strides = array<i32>} : memref<1x64x4096xf32, #tpu.memory_space<vmem>>, vector<1x64x128xf32>,
    %get3A_137 = arith.constant 0 : index
    %get3A_138 = arith.constant 0 : index
    %get3A_139 = arith.constant 6 : index
    %get3A_140 = arith.constant 0 : index
    %get3A_141 = arith.constant 0 : index
    %get3A_142 = vector.load %arg2[%get3A_137, %get3A_138, %get3A_139, %get3A_140, %get3A_141] : memref<1x2x32x8x128xf32, #tpu.memory_space<vmem>>, vector<1x1x1x8x128xf32>
    %get3A_143 = vector.shape_cast %get3A_142 : vector<1x1x1x8x128xf32> to vector<8x128xf32>
    %get3A_144 = arith.constant 0 : index
    %get3A_145 = arith.constant 1 : index
    %get3A_146 = arith.constant 6 : index
    %get3A_147 = arith.constant 0 : index
    %get3A_148 = arith.constant 0 : index
    %get3A_149 = vector.load %arg2[%get3A_144, %get3A_145, %get3A_146, %get3A_147, %get3A_148] : memref<1x2x32x8x128xf32, #tpu.memory_space<vmem>>, vector<1x1x1x8x128xf32>
    %get3A_150 = vector.shape_cast %get3A_149 : vector<1x1x1x8x128xf32> to vector<8x128xf32>
    %concatenate3A_151 = tpu.concatenate %get3A_143, %get3A_150 in 0 : vector<8x128xf32>, vector<8x128xf32> -> vector<16x128xf32>
    %dot_general3A_152 = arith.constant dense<0.000000e+00> : vector<64x128xf32>
    %dot_general3A_153 = tpu.matmul %get3A_1, %concatenate3A_151, %dot_general3A_152 {dimension_numbers = #tpu.dot_dimension_numbers<[1], [0], [0], [1], [0, 0, 1, 1], [], []>, transpose_lhs_hint = false} : vector<64x16xf32>, vector<16x128xf32>, vector<64x128xf32> -> vector<64x128xf32>
    %swap3A_154 = arith.constant 0 : index
    %swap3A_155 = arith.constant 0 : index
    %swap3A_156 = arith.constant 768 : index
    %swap3A_157 = vector.load %arg4[%swap3A_154, %swap3A_155, %swap3A_156] : memref<1x64x4096xf32, #tpu.memory_space<vmem>>, vector<1x64x128xf32>
    %swap3A_158 = vector.shape_cast %swap3A_157 : vector<1x64x128xf32> to vector<64x128xf32>
    %swap3A_159 = vector.shape_cast %dot_general3A_153 : vector<64x128xf32> to vector<1x64x128xf32>
    tpu.vector_store %arg4[%swap3A_154, %swap3A_155, %swap3A_156], %swap3A_159 {strides = array<i32>} : memref<1x64x4096xf32, #tpu.memory_space<vmem>>, vector<1x64x128xf32>,
    %get3A_160 = arith.constant 0 : index
    %get3A_161 = arith.constant 0 : index
    %get3A_162 = arith.constant 7 : index
    %get3A_163 = arith.constant 0 : index
    %get3A_164 = arith.constant 0 : index
    %get3A_165 = vector.load %arg2[%get3A_160, %get3A_161, %get3A_162, %get3A_163, %get3A_164] : memref<1x2x32x8x128xf32, #tpu.memory_space<vmem>>, vector<1x1x1x8x128xf32>
    %get3A_166 = vector.shape_cast %get3A_165 : vector<1x1x1x8x128xf32> to vector<8x128xf32>
    %get3A_167 = arith.constant 0 : index
    %get3A_168 = arith.constant 1 : index
    %get3A_169 = arith.constant 7 : index
    %get3A_170 = arith.constant 0 : index
    %get3A_171 = arith.constant 0 : index
    %get3A_172 = vector.load %arg2[%get3A_167, %get3A_168, %get3A_169, %get3A_170, %get3A_171] : memref<1x2x32x8x128xf32, #tpu.memory_space<vmem>>, vector<1x1x1x8x128xf32>
    %get3A_173 = vector.shape_cast %get3A_172 : vector<1x1x1x8x128xf32> to vector<8x128xf32>
    %concatenate3A_174 = tpu.concatenate %get3A_166, %get3A_173 in 0 : vector<8x128xf32>, vector<8x128xf32> -> vector<16x128xf32>
    %dot_general3A_175 = arith.constant dense<0.000000e+00> : vector<64x128xf32>
    %dot_general3A_176 = tpu.matmul %get3A_1, %concatenate3A_174, %dot_general3A_175 {dimension_numbers = #tpu.dot_dimension_numbers<[1], [0], [0], [1], [0, 0, 1, 1], [], []>, transpose_lhs_hint = false} : vector<64x16xf32>, vector<16x128xf32>, vector<64x128xf32> -> vector<64x128xf32>
    %swap3A_177 = arith.constant 0 : index
    %swap3A_178 = arith.constant 0 : index
    %swap3A_179 = arith.constant 896 : index
    %swap3A_180 = vector.load %arg4[%swap3A_177, %swap3A_178, %swap3A_179] : memref<1x64x4096xf32, #tpu.memory_space<vmem>>, vector<1x64x128xf32>
    %swap3A_181 = vector.shape_cast %swap3A_180 : vector<1x64x128xf32> to vector<64x128xf32>
    %swap3A_182 = vector.shape_cast %dot_general3A_176 : vector<64x128xf32> to vector<1x64x128xf32>
    tpu.vector_store %arg4[%swap3A_177, %swap3A_178, %swap3A_179], %swap3A_182 {strides = array<i32>} : memref<1x64x4096xf32, #tpu.memory_space<vmem>>, vector<1x64x128xf32>,
    %get3A_183 = arith.constant 0 : index
    %get3A_184 = arith.constant 0 : index
    %get3A_185 = arith.constant 8 : index
    %get3A_186 = arith.constant 0 : index
    %get3A_187 = arith.constant 0 : index
    %get3A_188 = vector.load %arg2[%get3A_183, %get3A_184, %get3A_185, %get3A_186, %get3A_187] : memref<1x2x32x8x128xf32, #tpu.memory_space<vmem>>, vector<1x1x1x8x128xf32>
    %get3A_189 = vector.shape_cast %get3A_188 : vector<1x1x1x8x128xf32> to vector<8x128xf32>
    %get3A_190 = arith.constant 0 : index
    %get3A_191 = arith.constant 1 : index
    %get3A_192 = arith.constant 8 : index
    %get3A_193 = arith.constant 0 : index
    %get3A_194 = arith.constant 0 : index
    %get3A_195 = vector.load %arg2[%get3A_190, %get3A_191, %get3A_192, %get3A_193, %get3A_194] : memref<1x2x32x8x128xf32, #tpu.memory_space<vmem>>, vector<1x1x1x8x128xf32>
    %get3A_196 = vector.shape_cast %get3A_195 : vector<1x1x1x8x128xf32> to vector<8x128xf32>
    %concatenate3A_197 = tpu.concatenate %get3A_189, %get3A_196 in 0 : vector<8x128xf32>, vector<8x128xf32> -> vector<16x128xf32>
    %dot_general3A_198 = arith.constant dense<0.000000e+00> : vector<64x128xf32>
    %dot_general3A_199 = tpu.matmul %get3A_1, %concatenate3A_197, %dot_general3A_198 {dimension_numbers = #tpu.dot_dimension_numbers<[1], [0], [0], [1], [0, 0, 1, 1], [], []>, transpose_lhs_hint = false} : vector<64x16xf32>, vector<16x128xf32>, vector<64x128xf32> -> vector<64x128xf32>
    %swap3A_200 = arith.constant 0 : index
    %swap3A_201 = arith.constant 0 : index
    %swap3A_202 = arith.constant 1024 : index
    %swap3A_203 = vector.load %arg4[%swap3A_200, %swap3A_201, %swap3A_202] : memref<1x64x4096xf32, #tpu.memory_space<vmem>>, vector<1x64x128xf32>
    %swap3A_204 = vector.shape_cast %swap3A_203 : vector<1x64x128xf32> to vector<64x128xf32>
    %swap3A_205 = vector.shape_cast %dot_general3A_199 : vector<64x128xf32> to vector<1x64x128xf32>
    tpu.vector_store %arg4[%swap3A_200, %swap3A_201, %swap3A_202], %swap3A_205 {strides = array<i32>} : memref<1x64x4096xf32, #tpu.memory_space<vmem>>, vector<1x64x128xf32>,
    %get3A_206 = arith.constant 0 : index
    %get3A_207 = arith.constant 0 : index
    %get3A_208 = arith.constant 9 : index
    %get3A_209 = arith.constant 0 : index
    %get3A_210 = arith.constant 0 : index
    %get3A_211 = vector.load %arg2[%get3A_206, %get3A_207, %get3A_208, %get3A_209, %get3A_210] : memref<1x2x32x8x128xf32, #tpu.memory_space<vmem>>, vector<1x1x1x8x128xf32>
    %get3A_212 = vector.shape_cast %get3A_211 : vector<1x1x1x8x128xf32> to vector<8x128xf32>
    %get3A_213 = arith.constant 0 : index
    %get3A_214 = arith.constant 1 : index
    %get3A_215 = arith.constant 9 : index
    %get3A_216 = arith.constant 0 : index
    %get3A_217 = arith.constant 0 : index
    %get3A_218 = vector.load %arg2[%get3A_213, %get3A_214, %get3A_215, %get3A_216, %get3A_217] : memref<1x2x32x8x128xf32, #tpu.memory_space<vmem>>, vector<1x1x1x8x128xf32>
    %get3A_219 = vector.shape_cast %get3A_218 : vector<1x1x1x8x128xf32> to vector<8x128xf32>
    %concatenate3A_220 = tpu.concatenate %get3A_212, %get3A_219 in 0 : vector<8x128xf32>, vector<8x128xf32> -> vector<16x128xf32>
    %dot_general3A_221 = arith.constant dense<0.000000e+00> : vector<64x128xf32>
    %dot_general3A_222 = tpu.matmul %get3A_1, %concatenate3A_220, %dot_general3A_221 {dimension_numbers = #tpu.dot_dimension_numbers<[1], [0], [0], [1], [0, 0, 1, 1], [], []>, transpose_lhs_hint = false} : vector<64x16xf32>, vector<16x128xf32>, vector<64x128xf32> -> vector<64x128xf32>
    %swap3A_223 = arith.constant 0 : index
    %swap3A_224 = arith.constant 0 : index
    %swap3A_225 = arith.constant 1152 : index
    %swap3A_226 = vector.load %arg4[%swap3A_223, %swap3A_224, %swap3A_225] : memref<1x64x4096xf32, #tpu.memory_space<vmem>>, vector<1x64x128xf32>
    %swap3A_227 = vector.shape_cast %swap3A_226 : vector<1x64x128xf32> to vector<64x128xf32>
    %swap3A_228 = vector.shape_cast %dot_general3A_222 : vector<64x128xf32> to vector<1x64x128xf32>
    tpu.vector_store %arg4[%swap3A_223, %swap3A_224, %swap3A_225], %swap3A_228 {strides = array<i32>} : memref<1x64x4096xf32, #tpu.memory_space<vmem>>, vector<1x64x128xf32>,
    %get3A_229 = arith.constant 0 : index
    %get3A_230 = arith.constant 0 : index
    %get3A_231 = arith.constant 10 : index
    %get3A_232 = arith.constant 0 : index
    %get3A_233 = arith.constant 0 : index
    %get3A_234 = vector.load %arg2[%get3A_229, %get3A_230, %get3A_231, %get3A_232, %get3A_233] : memref<1x2x32x8x128xf32, #tpu.memory_space<vmem>>, vector<1x1x1x8x128xf32>
    %get3A_235 = vector.shape_cast %get3A_234 : vector<1x1x1x8x128xf32> to vector<8x128xf32>
    %get3A_236 = arith.constant 0 : index
    %get3A_237 = arith.constant 1 : index
    %get3A_238 = arith.constant 10 : index
    %get3A_239 = arith.constant 0 : index
    %get3A_240 = arith.constant 0 : index
    %get3A_241 = vector.load %arg2[%get3A_236, %get3A_237, %get3A_238, %get3A_239, %get3A_240] : memref<1x2x32x8x128xf32, #tpu.memory_space<vmem>>, vector<1x1x1x8x128xf32>
    %get3A_242 = vector.shape_cast %get3A_241 : vector<1x1x1x8x128xf32> to vector<8x128xf32>
    %concatenate3A_243 = tpu.concatenate %get3A_235, %get3A_242 in 0 : vector<8x128xf32>, vector<8x128xf32> -> vector<16x128xf32>
    %dot_general3A_244 = arith.constant dense<0.000000e+00> : vector<64x128xf32>
    %dot_general3A_245 = tpu.matmul %get3A_1, %concatenate3A_243, %dot_general3A_244 {dimension_numbers = #tpu.dot_dimension_numbers<[1], [0], [0], [1], [0, 0, 1, 1], [], []>, transpose_lhs_hint = false} : vector<64x16xf32>, vector<16x128xf32>, vector<64x128xf32> -> vector<64x128xf32>
    %swap3A_246 = arith.constant 0 : index
    %swap3A_247 = arith.constant 0 : index
    %swap3A_248 = arith.constant 1280 : index
    %swap3A_249 = vector.load %arg4[%swap3A_246, %swap3A_247, %swap3A_248] : memref<1x64x4096xf32, #tpu.memory_space<vmem>>, vector<1x64x128xf32>
    %swap3A_250 = vector.shape_cast %swap3A_249 : vector<1x64x128xf32> to vector<64x128xf32>
    %swap3A_251 = vector.shape_cast %dot_general3A_245 : vector<64x128xf32> to vector<1x64x128xf32>
    tpu.vector_store %arg4[%swap3A_246, %swap3A_247, %swap3A_248], %swap3A_251 {strides = array<i32>} : memref<1x64x4096xf32, #tpu.memory_space<vmem>>, vector<1x64x128xf32>,
    %get3A_252 = arith.constant 0 : index
    %get3A_253 = arith.constant 0 : index
    %get3A_254 = arith.constant 11 : index
    %get3A_255 = arith.constant 0 : index
    %get3A_256 = arith.constant 0 : index
    %get3A_257 = vector.load %arg2[%get3A_252, %get3A_253, %get3A_254, %get3A_255, %get3A_256] : memref<1x2x32x8x128xf32, #tpu.memory_space<vmem>>, vector<1x1x1x8x128xf32>
    %get3A_258 = vector.shape_cast %get3A_257 : vector<1x1x1x8x128xf32> to vector<8x128xf32>
    %get3A_259 = arith.constant 0 : index
    %get3A_260 = arith.constant 1 : index
    %get3A_261 = arith.constant 11 : index
    %get3A_262 = arith.constant 0 : index
    %get3A_263 = arith.constant 0 : index
    %get3A_264 = vector.load %arg2[%get3A_259, %get3A_260, %get3A_261, %get3A_262, %get3A_263] : memref<1x2x32x8x128xf32, #tpu.memory_space<vmem>>, vector<1x1x1x8x128xf32>
    %get3A_265 = vector.shape_cast %get3A_264 : vector<1x1x1x8x128xf32> to vector<8x128xf32>
    %concatenate3A_266 = tpu.concatenate %get3A_258, %get3A_265 in 0 : vector<8x128xf32>, vector<8x128xf32> -> vector<16x128xf32>
    %dot_general3A_267 = arith.constant dense<0.000000e+00> : vector<64x128xf32>
    %dot_general3A_268 = tpu.matmul %get3A_1, %concatenate3A_266, %dot_general3A_267 {dimension_numbers = #tpu.dot_dimension_numbers<[1], [0], [0], [1], [0, 0, 1, 1], [], []>, transpose_lhs_hint = false} : vector<64x16xf32>, vector<16x128xf32>, vector<64x128xf32> -> vector<64x128xf32>
    %swap3A_269 = arith.constant 0 : index
    %swap3A_270 = arith.constant 0 : index
    %swap3A_271 = arith.constant 1408 : index
    %swap3A_272 = vector.load %arg4[%swap3A_269, %swap3A_270, %swap3A_271] : memref<1x64x4096xf32, #tpu.memory_space<vmem>>, vector<1x64x128xf32>
    %swap3A_273 = vector.shape_cast %swap3A_272 : vector<1x64x128xf32> to vector<64x128xf32>
    %swap3A_274 = vector.shape_cast %dot_general3A_268 : vector<64x128xf32> to vector<1x64x128xf32>
    tpu.vector_store %arg4[%swap3A_269, %swap3A_270, %swap3A_271], %swap3A_274 {strides = array<i32>} : memref<1x64x4096xf32, #tpu.memory_space<vmem>>, vector<1x64x128xf32>,
    %get3A_275 = arith.constant 0 : index
    %get3A_276 = arith.constant 0 : index
    %get3A_277 = arith.constant 12 : index
    %get3A_278 = arith.constant 0 : index
    %get3A_279 = arith.constant 0 : index
    %get3A_280 = vector.load %arg2[%get3A_275, %get3A_276, %get3A_277, %get3A_278, %get3A_279] : memref<1x2x32x8x128xf32, #tpu.memory_space<vmem>>, vector<1x1x1x8x128xf32>
    %get3A_281 = vector.shape_cast %get3A_280 : vector<1x1x1x8x128xf32> to vector<8x128xf32>
    %get3A_282 = arith.constant 0 : index
    %get3A_283 = arith.constant 1 : index
    %get3A_284 = arith.constant 12 : index
    %get3A_285 = arith.constant 0 : index
    %get3A_286 = arith.constant 0 : index
    %get3A_287 = vector.load %arg2[%get3A_282, %get3A_283, %get3A_284, %get3A_285, %get3A_286] : memref<1x2x32x8x128xf32, #tpu.memory_space<vmem>>, vector<1x1x1x8x128xf32>
    %get3A_288 = vector.shape_cast %get3A_287 : vector<1x1x1x8x128xf32> to vector<8x128xf32>
    %concatenate3A_289 = tpu.concatenate %get3A_281, %get3A_288 in 0 : vector<8x128xf32>, vector<8x128xf32> -> vector<16x128xf32>
    %dot_general3A_290 = arith.constant dense<0.000000e+00> : vector<64x128xf32>
    %dot_general3A_291 = tpu.matmul %get3A_1, %concatenate3A_289, %dot_general3A_290 {dimension_numbers = #tpu.dot_dimension_numbers<[1], [0], [0], [1], [0, 0, 1, 1], [], []>, transpose_lhs_hint = false} : vector<64x16xf32>, vector<16x128xf32>, vector<64x128xf32> -> vector<64x128xf32>
    %swap3A_292 = arith.constant 0 : index
    %swap3A_293 = arith.constant 0 : index
    %swap3A_294 = arith.constant 1536 : index
    %swap3A_295 = vector.load %arg4[%swap3A_292, %swap3A_293, %swap3A_294] : memref<1x64x4096xf32, #tpu.memory_space<vmem>>, vector<1x64x128xf32>
    %swap3A_296 = vector.shape_cast %swap3A_295 : vector<1x64x128xf32> to vector<64x128xf32>
    %swap3A_297 = vector.shape_cast %dot_general3A_291 : vector<64x128xf32> to vector<1x64x128xf32>
    tpu.vector_store %arg4[%swap3A_292, %swap3A_293, %swap3A_294], %swap3A_297 {strides = array<i32>} : memref<1x64x4096xf32, #tpu.memory_space<vmem>>, vector<1x64x128xf32>,
    %get3A_298 = arith.constant 0 : index
    %get3A_299 = arith.constant 0 : index
    %get3A_300 = arith.constant 13 : index
    %get3A_301 = arith.constant 0 : index
    %get3A_302 = arith.constant 0 : index
    %get3A_303 = vector.load %arg2[%get3A_298, %get3A_299, %get3A_300, %get3A_301, %get3A_302] : memref<1x2x32x8x128xf32, #tpu.memory_space<vmem>>, vector<1x1x1x8x128xf32>
    %get3A_304 = vector.shape_cast %get3A_303 : vector<1x1x1x8x128xf32> to vector<8x128xf32>
    %get3A_305 = arith.constant 0 : index
    %get3A_306 = arith.constant 1 : index
    %get3A_307 = arith.constant 13 : index
    %get3A_308 = arith.constant 0 : index
    %get3A_309 = arith.constant 0 : index
    %get3A_310 = vector.load %arg2[%get3A_305, %get3A_306, %get3A_307, %get3A_308, %get3A_309] : memref<1x2x32x8x128xf32, #tpu.memory_space<vmem>>, vector<1x1x1x8x128xf32>
    %get3A_311 = vector.shape_cast %get3A_310 : vector<1x1x1x8x128xf32> to vector<8x128xf32>
    %concatenate3A_312 = tpu.concatenate %get3A_304, %get3A_311 in 0 : vector<8x128xf32>, vector<8x128xf32> -> vector<16x128xf32>
    %dot_general3A_313 = arith.constant dense<0.000000e+00> : vector<64x128xf32>
    %dot_general3A_314 = tpu.matmul %get3A_1, %concatenate3A_312, %dot_general3A_313 {dimension_numbers = #tpu.dot_dimension_numbers<[1], [0], [0], [1], [0, 0, 1, 1], [], []>, transpose_lhs_hint = false} : vector<64x16xf32>, vector<16x128xf32>, vector<64x128xf32> -> vector<64x128xf32>
    %swap3A_315 = arith.constant 0 : index
    %swap3A_316 = arith.constant 0 : index
    %swap3A_317 = arith.constant 1664 : index
    %swap3A_318 = vector.load %arg4[%swap3A_315, %swap3A_316, %swap3A_317] : memref<1x64x4096xf32, #tpu.memory_space<vmem>>, vector<1x64x128xf32>
    %swap3A_319 = vector.shape_cast %swap3A_318 : vector<1x64x128xf32> to vector<64x128xf32>
    %swap3A_320 = vector.shape_cast %dot_general3A_314 : vector<64x128xf32> to vector<1x64x128xf32>
    tpu.vector_store %arg4[%swap3A_315, %swap3A_316, %swap3A_317], %swap3A_320 {strides = array<i32>} : memref<1x64x4096xf32, #tpu.memory_space<vmem>>, vector<1x64x128xf32>,
    %get3A_321 = arith.constant 0 : index
    %get3A_322 = arith.constant 0 : index
    %get3A_323 = arith.constant 14 : index
    %get3A_324 = arith.constant 0 : index
    %get3A_325 = arith.constant 0 : index
    %get3A_326 = vector.load %arg2[%get3A_321, %get3A_322, %get3A_323, %get3A_324, %get3A_325] : memref<1x2x32x8x128xf32, #tpu.memory_space<vmem>>, vector<1x1x1x8x128xf32>
    %get3A_327 = vector.shape_cast %get3A_326 : vector<1x1x1x8x128xf32> to vector<8x128xf32>
    %get3A_328 = arith.constant 0 : index
    %get3A_329 = arith.constant 1 : index
    %get3A_330 = arith.constant 14 : index
    %get3A_331 = arith.constant 0 : index
    %get3A_332 = arith.constant 0 : index
    %get3A_333 = vector.load %arg2[%get3A_328, %get3A_329, %get3A_330, %get3A_331, %get3A_332] : memref<1x2x32x8x128xf32, #tpu.memory_space<vmem>>, vector<1x1x1x8x128xf32>
    %get3A_334 = vector.shape_cast %get3A_333 : vector<1x1x1x8x128xf32> to vector<8x128xf32>
    %concatenate3A_335 = tpu.concatenate %get3A_327, %get3A_334 in 0 : vector<8x128xf32>, vector<8x128xf32> -> vector<16x128xf32>
    %dot_general3A_336 = arith.constant dense<0.000000e+00> : vector<64x128xf32>
    %dot_general3A_337 = tpu.matmul %get3A_1, %concatenate3A_335, %dot_general3A_336 {dimension_numbers = #tpu.dot_dimension_numbers<[1], [0], [0], [1], [0, 0, 1, 1], [], []>, transpose_lhs_hint = false} : vector<64x16xf32>, vector<16x128xf32>, vector<64x128xf32> -> vector<64x128xf32>
    %swap3A_338 = arith.constant 0 : index
    %swap3A_339 = arith.constant 0 : index
    %swap3A_340 = arith.constant 1792 : index
    %swap3A_341 = vector.load %arg4[%swap3A_338, %swap3A_339, %swap3A_340] : memref<1x64x4096xf32, #tpu.memory_space<vmem>>, vector<1x64x128xf32>
    %swap3A_342 = vector.shape_cast %swap3A_341 : vector<1x64x128xf32> to vector<64x128xf32>
    %swap3A_343 = vector.shape_cast %dot_general3A_337 : vector<64x128xf32> to vector<1x64x128xf32>
    tpu.vector_store %arg4[%swap3A_338, %swap3A_339, %swap3A_340], %swap3A_343 {strides = array<i32>} : memref<1x64x4096xf32, #tpu.memory_space<vmem>>, vector<1x64x128xf32>,
    %get3A_344 = arith.constant 0 : index
    %get3A_345 = arith.constant 0 : index
    %get3A_346 = arith.constant 15 : index
    %get3A_347 = arith.constant 0 : index
    %get3A_348 = arith.constant 0 : index
    %get3A_349 = vector.load %arg2[%get3A_344, %get3A_345, %get3A_346, %get3A_347, %get3A_348] : memref<1x2x32x8x128xf32, #tpu.memory_space<vmem>>, vector<1x1x1x8x128xf32>
    %get3A_350 = vector.shape_cast %get3A_349 : vector<1x1x1x8x128xf32> to vector<8x128xf32>
    %get3A_351 = arith.constant 0 : index
    %get3A_352 = arith.constant 1 : index
    %get3A_353 = arith.constant 15 : index
    %get3A_354 = arith.constant 0 : index
    %get3A_355 = arith.constant 0 : index
    %get3A_356 = vector.load %arg2[%get3A_351, %get3A_352, %get3A_353, %get3A_354, %get3A_355] : memref<1x2x32x8x128xf32, #tpu.memory_space<vmem>>, vector<1x1x1x8x128xf32>
    %get3A_357 = vector.shape_cast %get3A_356 : vector<1x1x1x8x128xf32> to vector<8x128xf32>
    %concatenate3A_358 = tpu.concatenate %get3A_350, %get3A_357 in 0 : vector<8x128xf32>, vector<8x128xf32> -> vector<16x128xf32>
    %dot_general3A_359 = arith.constant dense<0.000000e+00> : vector<64x128xf32>
    %dot_general3A_360 = tpu.matmul %get3A_1, %concatenate3A_358, %dot_general3A_359 {dimension_numbers = #tpu.dot_dimension_numbers<[1], [0], [0], [1], [0, 0, 1, 1], [], []>, transpose_lhs_hint = false} : vector<64x16xf32>, vector<16x128xf32>, vector<64x128xf32> -> vector<64x128xf32>
    %swap3A_361 = arith.constant 0 : index
    %swap3A_362 = arith.constant 0 : index
    %swap3A_363 = arith.constant 1920 : index
    %swap3A_364 = vector.load %arg4[%swap3A_361, %swap3A_362, %swap3A_363] : memref<1x64x4096xf32, #tpu.memory_space<vmem>>, vector<1x64x128xf32>
    %swap3A_365 = vector.shape_cast %swap3A_364 : vector<1x64x128xf32> to vector<64x128xf32>
    %swap3A_366 = vector.shape_cast %dot_general3A_360 : vector<64x128xf32> to vector<1x64x128xf32>
    tpu.vector_store %arg4[%swap3A_361, %swap3A_362, %swap3A_363], %swap3A_366 {strides = array<i32>} : memref<1x64x4096xf32, #tpu.memory_space<vmem>>, vector<1x64x128xf32>,
    %get3A_367 = arith.constant 0 : index
    %get3A_368 = arith.constant 0 : index
    %get3A_369 = arith.constant 16 : index
    %get3A_370 = arith.constant 0 : index
    %get3A_371 = arith.constant 0 : index
    %get3A_372 = vector.load %arg2[%get3A_367, %get3A_368, %get3A_369, %get3A_370, %get3A_371] : memref<1x2x32x8x128xf32, #tpu.memory_space<vmem>>, vector<1x1x1x8x128xf32>
    %get3A_373 = vector.shape_cast %get3A_372 : vector<1x1x1x8x128xf32> to vector<8x128xf32>
    %get3A_374 = arith.constant 0 : index
    %get3A_375 = arith.constant 1 : index
    %get3A_376 = arith.constant 16 : index
    %get3A_377 = arith.constant 0 : index
    %get3A_378 = arith.constant 0 : index
    %get3A_379 = vector.load %arg2[%get3A_374, %get3A_375, %get3A_376, %get3A_377, %get3A_378] : memref<1x2x32x8x128xf32, #tpu.memory_space<vmem>>, vector<1x1x1x8x128xf32>
    %get3A_380 = vector.shape_cast %get3A_379 : vector<1x1x1x8x128xf32> to vector<8x128xf32>
    %concatenate3A_381 = tpu.concatenate %get3A_373, %get3A_380 in 0 : vector<8x128xf32>, vector<8x128xf32> -> vector<16x128xf32>
    %dot_general3A_382 = arith.constant dense<0.000000e+00> : vector<64x128xf32>
    %dot_general3A_383 = tpu.matmul %get3A_1, %concatenate3A_381, %dot_general3A_382 {dimension_numbers = #tpu.dot_dimension_numbers<[1], [0], [0], [1], [0, 0, 1, 1], [], []>, transpose_lhs_hint = false} : vector<64x16xf32>, vector<16x128xf32>, vector<64x128xf32> -> vector<64x128xf32>
    %swap3A_384 = arith.constant 0 : index
    %swap3A_385 = arith.constant 0 : index
    %swap3A_386 = arith.constant 2048 : index
    %swap3A_387 = vector.load %arg4[%swap3A_384, %swap3A_385, %swap3A_386] : memref<1x64x4096xf32, #tpu.memory_space<vmem>>, vector<1x64x128xf32>
    %swap3A_388 = vector.shape_cast %swap3A_387 : vector<1x64x128xf32> to vector<64x128xf32>
    %swap3A_389 = vector.shape_cast %dot_general3A_383 : vector<64x128xf32> to vector<1x64x128xf32>
    tpu.vector_store %arg4[%swap3A_384, %swap3A_385, %swap3A_386], %swap3A_389 {strides = array<i32>} : memref<1x64x4096xf32, #tpu.memory_space<vmem>>, vector<1x64x128xf32>,
    %get3A_390 = arith.constant 0 : index
    %get3A_391 = arith.constant 0 : index
    %get3A_392 = arith.constant 17 : index
    %get3A_393 = arith.constant 0 : index
    %get3A_394 = arith.constant 0 : index
    %get3A_395 = vector.load %arg2[%get3A_390, %get3A_391, %get3A_392, %get3A_393, %get3A_394] : memref<1x2x32x8x128xf32, #tpu.memory_space<vmem>>, vector<1x1x1x8x128xf32>
    %get3A_396 = vector.shape_cast %get3A_395 : vector<1x1x1x8x128xf32> to vector<8x128xf32>
    %get3A_397 = arith.constant 0 : index
    %get3A_398 = arith.constant 1 : index
    %get3A_399 = arith.constant 17 : index
    %get3A_400 = arith.constant 0 : index
    %get3A_401 = arith.constant 0 : index
    %get3A_402 = vector.load %arg2[%get3A_397, %get3A_398, %get3A_399, %get3A_400, %get3A_401] : memref<1x2x32x8x128xf32, #tpu.memory_space<vmem>>, vector<1x1x1x8x128xf32>
    %get3A_403 = vector.shape_cast %get3A_402 : vector<1x1x1x8x128xf32> to vector<8x128xf32>
    %concatenate3A_404 = tpu.concatenate %get3A_396, %get3A_403 in 0 : vector<8x128xf32>, vector<8x128xf32> -> vector<16x128xf32>
    %dot_general3A_405 = arith.constant dense<0.000000e+00> : vector<64x128xf32>
    %dot_general3A_406 = tpu.matmul %get3A_1, %concatenate3A_404, %dot_general3A_405 {dimension_numbers = #tpu.dot_dimension_numbers<[1], [0], [0], [1], [0, 0, 1, 1], [], []>, transpose_lhs_hint = false} : vector<64x16xf32>, vector<16x128xf32>, vector<64x128xf32> -> vector<64x128xf32>
    %swap3A_407 = arith.constant 0 : index
    %swap3A_408 = arith.constant 0 : index
    %swap3A_409 = arith.constant 2176 : index
    %swap3A_410 = vector.load %arg4[%swap3A_407, %swap3A_408, %swap3A_409] : memref<1x64x4096xf32, #tpu.memory_space<vmem>>, vector<1x64x128xf32>
    %swap3A_411 = vector.shape_cast %swap3A_410 : vector<1x64x128xf32> to vector<64x128xf32>
    %swap3A_412 = vector.shape_cast %dot_general3A_406 : vector<64x128xf32> to vector<1x64x128xf32>
    tpu.vector_store %arg4[%swap3A_407, %swap3A_408, %swap3A_409], %swap3A_412 {strides = array<i32>} : memref<1x64x4096xf32, #tpu.memory_space<vmem>>, vector<1x64x128xf32>,
    %get3A_413 = arith.constant 0 : index
    %get3A_414 = arith.constant 0 : index
    %get3A_415 = arith.constant 18 : index
    %get3A_416 = arith.constant 0 : index
    %get3A_417 = arith.constant 0 : index
    %get3A_418 = vector.load %arg2[%get3A_413, %get3A_414, %get3A_415, %get3A_416, %get3A_417] : memref<1x2x32x8x128xf32, #tpu.memory_space<vmem>>, vector<1x1x1x8x128xf32>
    %get3A_419 = vector.shape_cast %get3A_418 : vector<1x1x1x8x128xf32> to vector<8x128xf32>
    %get3A_420 = arith.constant 0 : index
    %get3A_421 = arith.constant 1 : index
    %get3A_422 = arith.constant 18 : index
    %get3A_423 = arith.constant 0 : index
    %get3A_424 = arith.constant 0 : index
    %get3A_425 = vector.load %arg2[%get3A_420, %get3A_421, %get3A_422, %get3A_423, %get3A_424] : memref<1x2x32x8x128xf32, #tpu.memory_space<vmem>>, vector<1x1x1x8x128xf32>
    %get3A_426 = vector.shape_cast %get3A_425 : vector<1x1x1x8x128xf32> to vector<8x128xf32>
    %concatenate3A_427 = tpu.concatenate %get3A_419, %get3A_426 in 0 : vector<8x128xf32>, vector<8x128xf32> -> vector<16x128xf32>
    %dot_general3A_428 = arith.constant dense<0.000000e+00> : vector<64x128xf32>
    %dot_general3A_429 = tpu.matmul %get3A_1, %concatenate3A_427, %dot_general3A_428 {dimension_numbers = #tpu.dot_dimension_numbers<[1], [0], [0], [1], [0, 0, 1, 1], [], []>, transpose_lhs_hint = false} : vector<64x16xf32>, vector<16x128xf32>, vector<64x128xf32> -> vector<64x128xf32>
    %swap3A_430 = arith.constant 0 : index
    %swap3A_431 = arith.constant 0 : index
    %swap3A_432 = arith.constant 2304 : index
    %swap3A_433 = vector.load %arg4[%swap3A_430, %swap3A_431, %swap3A_432] : memref<1x64x4096xf32, #tpu.memory_space<vmem>>, vector<1x64x128xf32>
    %swap3A_434 = vector.shape_cast %swap3A_433 : vector<1x64x128xf32> to vector<64x128xf32>
    %swap3A_435 = vector.shape_cast %dot_general3A_429 : vector<64x128xf32> to vector<1x64x128xf32>
    tpu.vector_store %arg4[%swap3A_430, %swap3A_431, %swap3A_432], %swap3A_435 {strides = array<i32>} : memref<1x64x4096xf32, #tpu.memory_space<vmem>>, vector<1x64x128xf32>,
    %get3A_436 = arith.constant 0 : index
    %get3A_437 = arith.constant 0 : index
    %get3A_438 = arith.constant 19 : index
    %get3A_439 = arith.constant 0 : index
    %get3A_440 = arith.constant 0 : index
    %get3A_441 = vector.load %arg2[%get3A_436, %get3A_437, %get3A_438, %get3A_439, %get3A_440] : memref<1x2x32x8x128xf32, #tpu.memory_space<vmem>>, vector<1x1x1x8x128xf32>
    %get3A_442 = vector.shape_cast %get3A_441 : vector<1x1x1x8x128xf32> to vector<8x128xf32>
    %get3A_443 = arith.constant 0 : index
    %get3A_444 = arith.constant 1 : index
    %get3A_445 = arith.constant 19 : index
    %get3A_446 = arith.constant 0 : index
    %get3A_447 = arith.constant 0 : index
    %get3A_448 = vector.load %arg2[%get3A_443, %get3A_444, %get3A_445, %get3A_446, %get3A_447] : memref<1x2x32x8x128xf32, #tpu.memory_space<vmem>>, vector<1x1x1x8x128xf32>
    %get3A_449 = vector.shape_cast %get3A_448 : vector<1x1x1x8x128xf32> to vector<8x128xf32>
    %concatenate3A_450 = tpu.concatenate %get3A_442, %get3A_449 in 0 : vector<8x128xf32>, vector<8x128xf32> -> vector<16x128xf32>
    %dot_general3A_451 = arith.constant dense<0.000000e+00> : vector<64x128xf32>
    %dot_general3A_452 = tpu.matmul %get3A_1, %concatenate3A_450, %dot_general3A_451 {dimension_numbers = #tpu.dot_dimension_numbers<[1], [0], [0], [1], [0, 0, 1, 1], [], []>, transpose_lhs_hint = false} : vector<64x16xf32>, vector<16x128xf32>, vector<64x128xf32> -> vector<64x128xf32>
    %swap3A_453 = arith.constant 0 : index
    %swap3A_454 = arith.constant 0 : index
    %swap3A_455 = arith.constant 2432 : index
    %swap3A_456 = vector.load %arg4[%swap3A_453, %swap3A_454, %swap3A_455] : memref<1x64x4096xf32, #tpu.memory_space<vmem>>, vector<1x64x128xf32>
    %swap3A_457 = vector.shape_cast %swap3A_456 : vector<1x64x128xf32> to vector<64x128xf32>
    %swap3A_458 = vector.shape_cast %dot_general3A_452 : vector<64x128xf32> to vector<1x64x128xf32>
    tpu.vector_store %arg4[%swap3A_453, %swap3A_454, %swap3A_455], %swap3A_458 {strides = array<i32>} : memref<1x64x4096xf32, #tpu.memory_space<vmem>>, vector<1x64x128xf32>,
    %get3A_459 = arith.constant 0 : index
    %get3A_460 = arith.constant 0 : index
    %get3A_461 = arith.constant 20 : index
    %get3A_462 = arith.constant 0 : index
    %get3A_463 = arith.constant 0 : index
    %get3A_464 = vector.load %arg2[%get3A_459, %get3A_460, %get3A_461, %get3A_462, %get3A_463] : memref<1x2x32x8x128xf32, #tpu.memory_space<vmem>>, vector<1x1x1x8x128xf32>
    %get3A_465 = vector.shape_cast %get3A_464 : vector<1x1x1x8x128xf32> to vector<8x128xf32>
    %get3A_466 = arith.constant 0 : index
    %get3A_467 = arith.constant 1 : index
    %get3A_468 = arith.constant 20 : index
    %get3A_469 = arith.constant 0 : index
    %get3A_470 = arith.constant 0 : index
    %get3A_471 = vector.load %arg2[%get3A_466, %get3A_467, %get3A_468, %get3A_469, %get3A_470] : memref<1x2x32x8x128xf32, #tpu.memory_space<vmem>>, vector<1x1x1x8x128xf32>
    %get3A_472 = vector.shape_cast %get3A_471 : vector<1x1x1x8x128xf32> to vector<8x128xf32>
    %concatenate3A_473 = tpu.concatenate %get3A_465, %get3A_472 in 0 : vector<8x128xf32>, vector<8x128xf32> -> vector<16x128xf32>
    %dot_general3A_474 = arith.constant dense<0.000000e+00> : vector<64x128xf32>
    %dot_general3A_475 = tpu.matmul %get3A_1, %concatenate3A_473, %dot_general3A_474 {dimension_numbers = #tpu.dot_dimension_numbers<[1], [0], [0], [1], [0, 0, 1, 1], [], []>, transpose_lhs_hint = false} : vector<64x16xf32>, vector<16x128xf32>, vector<64x128xf32> -> vector<64x128xf32>
    %swap3A_476 = arith.constant 0 : index
    %swap3A_477 = arith.constant 0 : index
    %swap3A_478 = arith.constant 2560 : index
    %swap3A_479 = vector.load %arg4[%swap3A_476, %swap3A_477, %swap3A_478] : memref<1x64x4096xf32, #tpu.memory_space<vmem>>, vector<1x64x128xf32>
    %swap3A_480 = vector.shape_cast %swap3A_479 : vector<1x64x128xf32> to vector<64x128xf32>
    %swap3A_481 = vector.shape_cast %dot_general3A_475 : vector<64x128xf32> to vector<1x64x128xf32>
    tpu.vector_store %arg4[%swap3A_476, %swap3A_477, %swap3A_478], %swap3A_481 {strides = array<i32>} : memref<1x64x4096xf32, #tpu.memory_space<vmem>>, vector<1x64x128xf32>,
    %get3A_482 = arith.constant 0 : index
    %get3A_483 = arith.constant 0 : index
    %get3A_484 = arith.constant 21 : index
    %get3A_485 = arith.constant 0 : index
    %get3A_486 = arith.constant 0 : index
    %get3A_487 = vector.load %arg2[%get3A_482, %get3A_483, %get3A_484, %get3A_485, %get3A_486] : memref<1x2x32x8x128xf32, #tpu.memory_space<vmem>>, vector<1x1x1x8x128xf32>
    %get3A_488 = vector.shape_cast %get3A_487 : vector<1x1x1x8x128xf32> to vector<8x128xf32>
    %get3A_489 = arith.constant 0 : index
    %get3A_490 = arith.constant 1 : index
    %get3A_491 = arith.constant 21 : index
    %get3A_492 = arith.constant 0 : index
    %get3A_493 = arith.constant 0 : index
    %get3A_494 = vector.load %arg2[%get3A_489, %get3A_490, %get3A_491, %get3A_492, %get3A_493] : memref<1x2x32x8x128xf32, #tpu.memory_space<vmem>>, vector<1x1x1x8x128xf32>
    %get3A_495 = vector.shape_cast %get3A_494 : vector<1x1x1x8x128xf32> to vector<8x128xf32>
    %concatenate3A_496 = tpu.concatenate %get3A_488, %get3A_495 in 0 : vector<8x128xf32>, vector<8x128xf32> -> vector<16x128xf32>
    %dot_general3A_497 = arith.constant dense<0.000000e+00> : vector<64x128xf32>
    %dot_general3A_498 = tpu.matmul %get3A_1, %concatenate3A_496, %dot_general3A_497 {dimension_numbers = #tpu.dot_dimension_numbers<[1], [0], [0], [1], [0, 0, 1, 1], [], []>, transpose_lhs_hint = false} : vector<64x16xf32>, vector<16x128xf32>, vector<64x128xf32> -> vector<64x128xf32>
    %swap3A_499 = arith.constant 0 : index
    %swap3A_500 = arith.constant 0 : index
    %swap3A_501 = arith.constant 2688 : index
    %swap3A_502 = vector.load %arg4[%swap3A_499, %swap3A_500, %swap3A_501] : memref<1x64x4096xf32, #tpu.memory_space<vmem>>, vector<1x64x128xf32>
    %swap3A_503 = vector.shape_cast %swap3A_502 : vector<1x64x128xf32> to vector<64x128xf32>
    %swap3A_504 = vector.shape_cast %dot_general3A_498 : vector<64x128xf32> to vector<1x64x128xf32>
    tpu.vector_store %arg4[%swap3A_499, %swap3A_500, %swap3A_501], %swap3A_504 {strides = array<i32>} : memref<1x64x4096xf32, #tpu.memory_space<vmem>>, vector<1x64x128xf32>,
    %get3A_505 = arith.constant 0 : index
    %get3A_506 = arith.constant 0 : index
    %get3A_507 = arith.constant 22 : index
    %get3A_508 = arith.constant 0 : index
    %get3A_509 = arith.constant 0 : index
    %get3A_510 = vector.load %arg2[%get3A_505, %get3A_506, %get3A_507, %get3A_508, %get3A_509] : memref<1x2x32x8x128xf32, #tpu.memory_space<vmem>>, vector<1x1x1x8x128xf32>
    %get3A_511 = vector.shape_cast %get3A_510 : vector<1x1x1x8x128xf32> to vector<8x128xf32>
    %get3A_512 = arith.constant 0 : index
    %get3A_513 = arith.constant 1 : index
    %get3A_514 = arith.constant 22 : index
    %get3A_515 = arith.constant 0 : index
    %get3A_516 = arith.constant 0 : index
    %get3A_517 = vector.load %arg2[%get3A_512, %get3A_513, %get3A_514, %get3A_515, %get3A_516] : memref<1x2x32x8x128xf32, #tpu.memory_space<vmem>>, vector<1x1x1x8x128xf32>
    %get3A_518 = vector.shape_cast %get3A_517 : vector<1x1x1x8x128xf32> to vector<8x128xf32>
    %concatenate3A_519 = tpu.concatenate %get3A_511, %get3A_518 in 0 : vector<8x128xf32>, vector<8x128xf32> -> vector<16x128xf32>
    %dot_general3A_520 = arith.constant dense<0.000000e+00> : vector<64x128xf32>
    %dot_general3A_521 = tpu.matmul %get3A_1, %concatenate3A_519, %dot_general3A_520 {dimension_numbers = #tpu.dot_dimension_numbers<[1], [0], [0], [1], [0, 0, 1, 1], [], []>, transpose_lhs_hint = false} : vector<64x16xf32>, vector<16x128xf32>, vector<64x128xf32> -> vector<64x128xf32>
    %swap3A_522 = arith.constant 0 : index
    %swap3A_523 = arith.constant 0 : index
    %swap3A_524 = arith.constant 2816 : index
    %swap3A_525 = vector.load %arg4[%swap3A_522, %swap3A_523, %swap3A_524] : memref<1x64x4096xf32, #tpu.memory_space<vmem>>, vector<1x64x128xf32>
    %swap3A_526 = vector.shape_cast %swap3A_525 : vector<1x64x128xf32> to vector<64x128xf32>
    %swap3A_527 = vector.shape_cast %dot_general3A_521 : vector<64x128xf32> to vector<1x64x128xf32>
    tpu.vector_store %arg4[%swap3A_522, %swap3A_523, %swap3A_524], %swap3A_527 {strides = array<i32>} : memref<1x64x4096xf32, #tpu.memory_space<vmem>>, vector<1x64x128xf32>,
    %get3A_528 = arith.constant 0 : index
    %get3A_529 = arith.constant 0 : index
    %get3A_530 = arith.constant 23 : index
    %get3A_531 = arith.constant 0 : index
    %get3A_532 = arith.constant 0 : index
    %get3A_533 = vector.load %arg2[%get3A_528, %get3A_529, %get3A_530, %get3A_531, %get3A_532] : memref<1x2x32x8x128xf32, #tpu.memory_space<vmem>>, vector<1x1x1x8x128xf32>
    %get3A_534 = vector.shape_cast %get3A_533 : vector<1x1x1x8x128xf32> to vector<8x128xf32>
    %get3A_535 = arith.constant 0 : index
    %get3A_536 = arith.constant 1 : index
    %get3A_537 = arith.constant 23 : index
    %get3A_538 = arith.constant 0 : index
    %get3A_539 = arith.constant 0 : index
    %get3A_540 = vector.load %arg2[%get3A_535, %get3A_536, %get3A_537, %get3A_538, %get3A_539] : memref<1x2x32x8x128xf32, #tpu.memory_space<vmem>>, vector<1x1x1x8x128xf32>
    %get3A_541 = vector.shape_cast %get3A_540 : vector<1x1x1x8x128xf32> to vector<8x128xf32>
    %concatenate3A_542 = tpu.concatenate %get3A_534, %get3A_541 in 0 : vector<8x128xf32>, vector<8x128xf32> -> vector<16x128xf32>
    %dot_general3A_543 = arith.constant dense<0.000000e+00> : vector<64x128xf32>
    %dot_general3A_544 = tpu.matmul %get3A_1, %concatenate3A_542, %dot_general3A_543 {dimension_numbers = #tpu.dot_dimension_numbers<[1], [0], [0], [1], [0, 0, 1, 1], [], []>, transpose_lhs_hint = false} : vector<64x16xf32>, vector<16x128xf32>, vector<64x128xf32> -> vector<64x128xf32>
    %swap3A_545 = arith.constant 0 : index
    %swap3A_546 = arith.constant 0 : index
    %swap3A_547 = arith.constant 2944 : index
    %swap3A_548 = vector.load %arg4[%swap3A_545, %swap3A_546, %swap3A_547] : memref<1x64x4096xf32, #tpu.memory_space<vmem>>, vector<1x64x128xf32>
    %swap3A_549 = vector.shape_cast %swap3A_548 : vector<1x64x128xf32> to vector<64x128xf32>
    %swap3A_550 = vector.shape_cast %dot_general3A_544 : vector<64x128xf32> to vector<1x64x128xf32>
    tpu.vector_store %arg4[%swap3A_545, %swap3A_546, %swap3A_547], %swap3A_550 {strides = array<i32>} : memref<1x64x4096xf32, #tpu.memory_space<vmem>>, vector<1x64x128xf32>,
    %get3A_551 = arith.constant 0 : index
    %get3A_552 = arith.constant 0 : index
    %get3A_553 = arith.constant 24 : index
    %get3A_554 = arith.constant 0 : index
    %get3A_555 = arith.constant 0 : index
    %get3A_556 = vector.load %arg2[%get3A_551, %get3A_552, %get3A_553, %get3A_554, %get3A_555] : memref<1x2x32x8x128xf32, #tpu.memory_space<vmem>>, vector<1x1x1x8x128xf32>
    %get3A_557 = vector.shape_cast %get3A_556 : vector<1x1x1x8x128xf32> to vector<8x128xf32>
    %get3A_558 = arith.constant 0 : index
    %get3A_559 = arith.constant 1 : index
    %get3A_560 = arith.constant 24 : index
    %get3A_561 = arith.constant 0 : index
    %get3A_562 = arith.constant 0 : index
    %get3A_563 = vector.load %arg2[%get3A_558, %get3A_559, %get3A_560, %get3A_561, %get3A_562] : memref<1x2x32x8x128xf32, #tpu.memory_space<vmem>>, vector<1x1x1x8x128xf32>
    %get3A_564 = vector.shape_cast %get3A_563 : vector<1x1x1x8x128xf32> to vector<8x128xf32>
    %concatenate3A_565 = tpu.concatenate %get3A_557, %get3A_564 in 0 : vector<8x128xf32>, vector<8x128xf32> -> vector<16x128xf32>
    %dot_general3A_566 = arith.constant dense<0.000000e+00> : vector<64x128xf32>
    %dot_general3A_567 = tpu.matmul %get3A_1, %concatenate3A_565, %dot_general3A_566 {dimension_numbers = #tpu.dot_dimension_numbers<[1], [0], [0], [1], [0, 0, 1, 1], [], []>, transpose_lhs_hint = false} : vector<64x16xf32>, vector<16x128xf32>, vector<64x128xf32> -> vector<64x128xf32>
    %swap3A_568 = arith.constant 0 : index
    %swap3A_569 = arith.constant 0 : index
    %swap3A_570 = arith.constant 3072 : index
    %swap3A_571 = vector.load %arg4[%swap3A_568, %swap3A_569, %swap3A_570] : memref<1x64x4096xf32, #tpu.memory_space<vmem>>, vector<1x64x128xf32>
    %swap3A_572 = vector.shape_cast %swap3A_571 : vector<1x64x128xf32> to vector<64x128xf32>
    %swap3A_573 = vector.shape_cast %dot_general3A_567 : vector<64x128xf32> to vector<1x64x128xf32>
    tpu.vector_store %arg4[%swap3A_568, %swap3A_569, %swap3A_570], %swap3A_573 {strides = array<i32>} : memref<1x64x4096xf32, #tpu.memory_space<vmem>>, vector<1x64x128xf32>,
    %get3A_574 = arith.constant 0 : index
    %get3A_575 = arith.constant 0 : index
    %get3A_576 = arith.constant 25 : index
    %get3A_577 = arith.constant 0 : index
    %get3A_578 = arith.constant 0 : index
    %get3A_579 = vector.load %arg2[%get3A_574, %get3A_575, %get3A_576, %get3A_577, %get3A_578] : memref<1x2x32x8x128xf32, #tpu.memory_space<vmem>>, vector<1x1x1x8x128xf32>
    %get3A_580 = vector.shape_cast %get3A_579 : vector<1x1x1x8x128xf32> to vector<8x128xf32>
    %get3A_581 = arith.constant 0 : index
    %get3A_582 = arith.constant 1 : index
    %get3A_583 = arith.constant 25 : index
    %get3A_584 = arith.constant 0 : index
    %get3A_585 = arith.constant 0 : index
    %get3A_586 = vector.load %arg2[%get3A_581, %get3A_582, %get3A_583, %get3A_584, %get3A_585] : memref<1x2x32x8x128xf32, #tpu.memory_space<vmem>>, vector<1x1x1x8x128xf32>
    %get3A_587 = vector.shape_cast %get3A_586 : vector<1x1x1x8x128xf32> to vector<8x128xf32>
    %concatenate3A_588 = tpu.concatenate %get3A_580, %get3A_587 in 0 : vector<8x128xf32>, vector<8x128xf32> -> vector<16x128xf32>
    %dot_general3A_589 = arith.constant dense<0.000000e+00> : vector<64x128xf32>
    %dot_general3A_590 = tpu.matmul %get3A_1, %concatenate3A_588, %dot_general3A_589 {dimension_numbers = #tpu.dot_dimension_numbers<[1], [0], [0], [1], [0, 0, 1, 1], [], []>, transpose_lhs_hint = false} : vector<64x16xf32>, vector<16x128xf32>, vector<64x128xf32> -> vector<64x128xf32>
    %swap3A_591 = arith.constant 0 : index
    %swap3A_592 = arith.constant 0 : index
    %swap3A_593 = arith.constant 3200 : index
    %swap3A_594 = vector.load %arg4[%swap3A_591, %swap3A_592, %swap3A_593] : memref<1x64x4096xf32, #tpu.memory_space<vmem>>, vector<1x64x128xf32>
    %swap3A_595 = vector.shape_cast %swap3A_594 : vector<1x64x128xf32> to vector<64x128xf32>
    %swap3A_596 = vector.shape_cast %dot_general3A_590 : vector<64x128xf32> to vector<1x64x128xf32>
    tpu.vector_store %arg4[%swap3A_591, %swap3A_592, %swap3A_593], %swap3A_596 {strides = array<i32>} : memref<1x64x4096xf32, #tpu.memory_space<vmem>>, vector<1x64x128xf32>,
    %get3A_597 = arith.constant 0 : index
    %get3A_598 = arith.constant 0 : index
    %get3A_599 = arith.constant 26 : index
    %get3A_600 = arith.constant 0 : index
    %get3A_601 = arith.constant 0 : index
    %get3A_602 = vector.load %arg2[%get3A_597, %get3A_598, %get3A_599, %get3A_600, %get3A_601] : memref<1x2x32x8x128xf32, #tpu.memory_space<vmem>>, vector<1x1x1x8x128xf32>
    %get3A_603 = vector.shape_cast %get3A_602 : vector<1x1x1x8x128xf32> to vector<8x128xf32>
    %get3A_604 = arith.constant 0 : index
    %get3A_605 = arith.constant 1 : index
    %get3A_606 = arith.constant 26 : index
    %get3A_607 = arith.constant 0 : index
    %get3A_608 = arith.constant 0 : index
    %get3A_609 = vector.load %arg2[%get3A_604, %get3A_605, %get3A_606, %get3A_607, %get3A_608] : memref<1x2x32x8x128xf32, #tpu.memory_space<vmem>>, vector<1x1x1x8x128xf32>
    %get3A_610 = vector.shape_cast %get3A_609 : vector<1x1x1x8x128xf32> to vector<8x128xf32>
    %concatenate3A_611 = tpu.concatenate %get3A_603, %get3A_610 in 0 : vector<8x128xf32>, vector<8x128xf32> -> vector<16x128xf32>
    %dot_general3A_612 = arith.constant dense<0.000000e+00> : vector<64x128xf32>
    %dot_general3A_613 = tpu.matmul %get3A_1, %concatenate3A_611, %dot_general3A_612 {dimension_numbers = #tpu.dot_dimension_numbers<[1], [0], [0], [1], [0, 0, 1, 1], [], []>, transpose_lhs_hint = false} : vector<64x16xf32>, vector<16x128xf32>, vector<64x128xf32> -> vector<64x128xf32>
    %swap3A_614 = arith.constant 0 : index
    %swap3A_615 = arith.constant 0 : index
    %swap3A_616 = arith.constant 3328 : index
    %swap3A_617 = vector.load %arg4[%swap3A_614, %swap3A_615, %swap3A_616] : memref<1x64x4096xf32, #tpu.memory_space<vmem>>, vector<1x64x128xf32>
    %swap3A_618 = vector.shape_cast %swap3A_617 : vector<1x64x128xf32> to vector<64x128xf32>
    %swap3A_619 = vector.shape_cast %dot_general3A_613 : vector<64x128xf32> to vector<1x64x128xf32>
    tpu.vector_store %arg4[%swap3A_614, %swap3A_615, %swap3A_616], %swap3A_619 {strides = array<i32>} : memref<1x64x4096xf32, #tpu.memory_space<vmem>>, vector<1x64x128xf32>,
    %get3A_620 = arith.constant 0 : index
    %get3A_621 = arith.constant 0 : index
    %get3A_622 = arith.constant 27 : index
    %get3A_623 = arith.constant 0 : index
    %get3A_624 = arith.constant 0 : index
    %get3A_625 = vector.load %arg2[%get3A_620, %get3A_621, %get3A_622, %get3A_623, %get3A_624] : memref<1x2x32x8x128xf32, #tpu.memory_space<vmem>>, vector<1x1x1x8x128xf32>
    %get3A_626 = vector.shape_cast %get3A_625 : vector<1x1x1x8x128xf32> to vector<8x128xf32>
    %get3A_627 = arith.constant 0 : index
    %get3A_628 = arith.constant 1 : index
    %get3A_629 = arith.constant 27 : index
    %get3A_630 = arith.constant 0 : index
    %get3A_631 = arith.constant 0 : index
    %get3A_632 = vector.load %arg2[%get3A_627, %get3A_628, %get3A_629, %get3A_630, %get3A_631] : memref<1x2x32x8x128xf32, #tpu.memory_space<vmem>>, vector<1x1x1x8x128xf32>
    %get3A_633 = vector.shape_cast %get3A_632 : vector<1x1x1x8x128xf32> to vector<8x128xf32>
    %concatenate3A_634 = tpu.concatenate %get3A_626, %get3A_633 in 0 : vector<8x128xf32>, vector<8x128xf32> -> vector<16x128xf32>
    %dot_general3A_635 = arith.constant dense<0.000000e+00> : vector<64x128xf32>
    %dot_general3A_636 = tpu.matmul %get3A_1, %concatenate3A_634, %dot_general3A_635 {dimension_numbers = #tpu.dot_dimension_numbers<[1], [0], [0], [1], [0, 0, 1, 1], [], []>, transpose_lhs_hint = false} : vector<64x16xf32>, vector<16x128xf32>, vector<64x128xf32> -> vector<64x128xf32>
    %swap3A_637 = arith.constant 0 : index
    %swap3A_638 = arith.constant 0 : index
    %swap3A_639 = arith.constant 3456 : index
    %swap3A_640 = vector.load %arg4[%swap3A_637, %swap3A_638, %swap3A_639] : memref<1x64x4096xf32, #tpu.memory_space<vmem>>, vector<1x64x128xf32>
    %swap3A_641 = vector.shape_cast %swap3A_640 : vector<1x64x128xf32> to vector<64x128xf32>
    %swap3A_642 = vector.shape_cast %dot_general3A_636 : vector<64x128xf32> to vector<1x64x128xf32>
    tpu.vector_store %arg4[%swap3A_637, %swap3A_638, %swap3A_639], %swap3A_642 {strides = array<i32>} : memref<1x64x4096xf32, #tpu.memory_space<vmem>>, vector<1x64x128xf32>,
    %get3A_643 = arith.constant 0 : index
    %get3A_644 = arith.constant 0 : index
    %get3A_645 = arith.constant 28 : index
    %get3A_646 = arith.constant 0 : index
    %get3A_647 = arith.constant 0 : index
    %get3A_648 = vector.load %arg2[%get3A_643, %get3A_644, %get3A_645, %get3A_646, %get3A_647] : memref<1x2x32x8x128xf32, #tpu.memory_space<vmem>>, vector<1x1x1x8x128xf32>
    %get3A_649 = vector.shape_cast %get3A_648 : vector<1x1x1x8x128xf32> to vector<8x128xf32>
    %get3A_650 = arith.constant 0 : index
    %get3A_651 = arith.constant 1 : index
    %get3A_652 = arith.constant 28 : index
    %get3A_653 = arith.constant 0 : index
    %get3A_654 = arith.constant 0 : index
    %get3A_655 = vector.load %arg2[%get3A_650, %get3A_651, %get3A_652, %get3A_653, %get3A_654] : memref<1x2x32x8x128xf32, #tpu.memory_space<vmem>>, vector<1x1x1x8x128xf32>
    %get3A_656 = vector.shape_cast %get3A_655 : vector<1x1x1x8x128xf32> to vector<8x128xf32>
    %concatenate3A_657 = tpu.concatenate %get3A_649, %get3A_656 in 0 : vector<8x128xf32>, vector<8x128xf32> -> vector<16x128xf32>
    %dot_general3A_658 = arith.constant dense<0.000000e+00> : vector<64x128xf32>
    %dot_general3A_659 = tpu.matmul %get3A_1, %concatenate3A_657, %dot_general3A_658 {dimension_numbers = #tpu.dot_dimension_numbers<[1], [0], [0], [1], [0, 0, 1, 1], [], []>, transpose_lhs_hint = false} : vector<64x16xf32>, vector<16x128xf32>, vector<64x128xf32> -> vector<64x128xf32>
    %swap3A_660 = arith.constant 0 : index
    %swap3A_661 = arith.constant 0 : index
    %swap3A_662 = arith.constant 3584 : index
    %swap3A_663 = vector.load %arg4[%swap3A_660, %swap3A_661, %swap3A_662] : memref<1x64x4096xf32, #tpu.memory_space<vmem>>, vector<1x64x128xf32>
    %swap3A_664 = vector.shape_cast %swap3A_663 : vector<1x64x128xf32> to vector<64x128xf32>
    %swap3A_665 = vector.shape_cast %dot_general3A_659 : vector<64x128xf32> to vector<1x64x128xf32>
    tpu.vector_store %arg4[%swap3A_660, %swap3A_661, %swap3A_662], %swap3A_665 {strides = array<i32>} : memref<1x64x4096xf32, #tpu.memory_space<vmem>>, vector<1x64x128xf32>,
    %get3A_666 = arith.constant 0 : index
    %get3A_667 = arith.constant 0 : index
    %get3A_668 = arith.constant 29 : index
    %get3A_669 = arith.constant 0 : index
    %get3A_670 = arith.constant 0 : index
    %get3A_671 = vector.load %arg2[%get3A_666, %get3A_667, %get3A_668, %get3A_669, %get3A_670] : memref<1x2x32x8x128xf32, #tpu.memory_space<vmem>>, vector<1x1x1x8x128xf32>
    %get3A_672 = vector.shape_cast %get3A_671 : vector<1x1x1x8x128xf32> to vector<8x128xf32>
    %get3A_673 = arith.constant 0 : index
    %get3A_674 = arith.constant 1 : index
    %get3A_675 = arith.constant 29 : index
    %get3A_676 = arith.constant 0 : index
    %get3A_677 = arith.constant 0 : index
    %get3A_678 = vector.load %arg2[%get3A_673, %get3A_674, %get3A_675, %get3A_676, %get3A_677] : memref<1x2x32x8x128xf32, #tpu.memory_space<vmem>>, vector<1x1x1x8x128xf32>
    %get3A_679 = vector.shape_cast %get3A_678 : vector<1x1x1x8x128xf32> to vector<8x128xf32>
    %concatenate3A_680 = tpu.concatenate %get3A_672, %get3A_679 in 0 : vector<8x128xf32>, vector<8x128xf32> -> vector<16x128xf32>
    %dot_general3A_681 = arith.constant dense<0.000000e+00> : vector<64x128xf32>
    %dot_general3A_682 = tpu.matmul %get3A_1, %concatenate3A_680, %dot_general3A_681 {dimension_numbers = #tpu.dot_dimension_numbers<[1], [0], [0], [1], [0, 0, 1, 1], [], []>, transpose_lhs_hint = false} : vector<64x16xf32>, vector<16x128xf32>, vector<64x128xf32> -> vector<64x128xf32>
    %swap3A_683 = arith.constant 0 : index
    %swap3A_684 = arith.constant 0 : index
    %swap3A_685 = arith.constant 3712 : index
    %swap3A_686 = vector.load %arg4[%swap3A_683, %swap3A_684, %swap3A_685] : memref<1x64x4096xf32, #tpu.memory_space<vmem>>, vector<1x64x128xf32>
    %swap3A_687 = vector.shape_cast %swap3A_686 : vector<1x64x128xf32> to vector<64x128xf32>
    %swap3A_688 = vector.shape_cast %dot_general3A_682 : vector<64x128xf32> to vector<1x64x128xf32>
    tpu.vector_store %arg4[%swap3A_683, %swap3A_684, %swap3A_685], %swap3A_688 {strides = array<i32>} : memref<1x64x4096xf32, #tpu.memory_space<vmem>>, vector<1x64x128xf32>,
    %get3A_689 = arith.constant 0 : index
    %get3A_690 = arith.constant 0 : index
    %get3A_691 = arith.constant 30 : index
    %get3A_692 = arith.constant 0 : index
    %get3A_693 = arith.constant 0 : index
    %get3A_694 = vector.load %arg2[%get3A_689, %get3A_690, %get3A_691, %get3A_692, %get3A_693] : memref<1x2x32x8x128xf32, #tpu.memory_space<vmem>>, vector<1x1x1x8x128xf32>
    %get3A_695 = vector.shape_cast %get3A_694 : vector<1x1x1x8x128xf32> to vector<8x128xf32>
    %get3A_696 = arith.constant 0 : index
    %get3A_697 = arith.constant 1 : index
    %get3A_698 = arith.constant 30 : index
    %get3A_699 = arith.constant 0 : index
    %get3A_700 = arith.constant 0 : index
    %get3A_701 = vector.load %arg2[%get3A_696, %get3A_697, %get3A_698, %get3A_699, %get3A_700] : memref<1x2x32x8x128xf32, #tpu.memory_space<vmem>>, vector<1x1x1x8x128xf32>
    %get3A_702 = vector.shape_cast %get3A_701 : vector<1x1x1x8x128xf32> to vector<8x128xf32>
    %concatenate3A_703 = tpu.concatenate %get3A_695, %get3A_702 in 0 : vector<8x128xf32>, vector<8x128xf32> -> vector<16x128xf32>
    %dot_general3A_704 = arith.constant dense<0.000000e+00> : vector<64x128xf32>
    %dot_general3A_705 = tpu.matmul %get3A_1, %concatenate3A_703, %dot_general3A_704 {dimension_numbers = #tpu.dot_dimension_numbers<[1], [0], [0], [1], [0, 0, 1, 1], [], []>, transpose_lhs_hint = false} : vector<64x16xf32>, vector<16x128xf32>, vector<64x128xf32> -> vector<64x128xf32>
    %swap3A_706 = arith.constant 0 : index
    %swap3A_707 = arith.constant 0 : index
    %swap3A_708 = arith.constant 3840 : index
    %swap3A_709 = vector.load %arg4[%swap3A_706, %swap3A_707, %swap3A_708] : memref<1x64x4096xf32, #tpu.memory_space<vmem>>, vector<1x64x128xf32>
    %swap3A_710 = vector.shape_cast %swap3A_709 : vector<1x64x128xf32> to vector<64x128xf32>
    %swap3A_711 = vector.shape_cast %dot_general3A_705 : vector<64x128xf32> to vector<1x64x128xf32>
    tpu.vector_store %arg4[%swap3A_706, %swap3A_707, %swap3A_708], %swap3A_711 {strides = array<i32>} : memref<1x64x4096xf32, #tpu.memory_space<vmem>>, vector<1x64x128xf32>,
    %get3A_712 = arith.constant 0 : index
    %get3A_713 = arith.constant 0 : index
    %get3A_714 = arith.constant 31 : index
    %get3A_715 = arith.constant 0 : index
    %get3A_716 = arith.constant 0 : index
    %get3A_717 = vector.load %arg2[%get3A_712, %get3A_713, %get3A_714, %get3A_715, %get3A_716] : memref<1x2x32x8x128xf32, #tpu.memory_space<vmem>>, vector<1x1x1x8x128xf32>
    %get3A_718 = vector.shape_cast %get3A_717 : vector<1x1x1x8x128xf32> to vector<8x128xf32>
    %get3A_719 = arith.constant 0 : index
    %get3A_720 = arith.constant 1 : index
    %get3A_721 = arith.constant 31 : index
    %get3A_722 = arith.constant 0 : index
    %get3A_723 = arith.constant 0 : index
    %get3A_724 = vector.load %arg2[%get3A_719, %get3A_720, %get3A_721, %get3A_722, %get3A_723] : memref<1x2x32x8x128xf32, #tpu.memory_space<vmem>>, vector<1x1x1x8x128xf32>
    %get3A_725 = vector.shape_cast %get3A_724 : vector<1x1x1x8x128xf32> to vector<8x128xf32>
    %concatenate3A_726 = tpu.concatenate %get3A_718, %get3A_725 in 0 : vector<8x128xf32>, vector<8x128xf32> -> vector<16x128xf32>
    %dot_general3A_727 = arith.constant dense<0.000000e+00> : vector<64x128xf32>
    %dot_general3A_728 = tpu.matmul %get3A_1, %concatenate3A_726, %dot_general3A_727 {dimension_numbers = #tpu.dot_dimension_numbers<[1], [0], [0], [1], [0, 0, 1, 1], [], []>, transpose_lhs_hint = false} : vector<64x16xf32>, vector<16x128xf32>, vector<64x128xf32> -> vector<64x128xf32>
    %swap3A_729 = arith.constant 0 : index
    %swap3A_730 = arith.constant 0 : index
    %swap3A_731 = arith.constant 3968 : index
    %swap3A_732 = vector.load %arg4[%swap3A_729, %swap3A_730, %swap3A_731] : memref<1x64x4096xf32, #tpu.memory_space<vmem>>, vector<1x64x128xf32>
    %swap3A_733 = vector.shape_cast %swap3A_732 : vector<1x64x128xf32> to vector<64x128xf32>
    %swap3A_734 = vector.shape_cast %dot_general3A_728 : vector<64x128xf32> to vector<1x64x128xf32>
    tpu.vector_store %arg4[%swap3A_729, %swap3A_730, %swap3A_731], %swap3A_734 {strides = array<i32>} : memref<1x64x4096xf32, #tpu.memory_space<vmem>>, vector<1x64x128xf32>,
    return
  }
  func.func @transform_0(%arg0: i32, %arg1: i32) -> (i32, i32, i32, i32, i32) {
    %c0_i32 = arith.constant 0 : i32
    %c0_i32_0 = arith.constant 0 : i32
    %c0_i32_1 = arith.constant 0 : i32
    %c0_i32_2 = arith.constant 0 : i32
    return %arg0, %c0_i32, %arg1, %c0_i32_0, %c0_i32_1 : i32, i32, i32, i32, i32
  }
  func.func @transform_1(%arg0: i32, %arg1: i32) -> (i32, i32) {
    %c0_i32 = arith.constant 0 : i32
    %c0_i32_0 = arith.constant 0 : i32
    %c0_i32_1 = arith.constant 0 : i32
    return %c0_i32, %c0_i32_0 : i32, i32
  }
  func.func @transform_2(%arg0: i32, %arg1: i32) -> (i32, i32, i32) {
    %c0_i32 = arith.constant 0 : i32
    %c0_i32_0 = arith.constant 0 : i32
    return %arg0, %c0_i32, %arg1 : i32, i32, i32
  }
}

</mosaic_0001>

<sc_bundles>
// kernel: kernel.5.cloned.1.call-start
scs
__scs_entry_jumppad:
0x0: {  	(pc) =	sbr.rel $0x88, $3  }
0x1: {  	(tag) =	ssettag $0x0;
	lr =	simm.s32 $0x1  }
0x2: {  	[smem:$0x3F9E] =	sst lr;
	_ =	strace $0xD0000000  }
0x3: {  	_ = 	snop  }
0x4: {  	_ = 	snop  }
0x5: {  	_ = 	snop  }
0x6: {  	_ = 	snop  }
0x7: {  	_ = 	snop  }
__scs_overlays_trampoline_lowered:
0x8: {  	[smem:$0x3FAD] =	sst s0  }
0x9: {  	[smem:$0x3FAE] =	sst s1  }
0xa: {  	[smem:$0x3FAF] =	sst s2  }
0xb: {  	[smem:$0x3FB0] =	sst s3  }
0xc: {  	[smem:$0x3FB1] =	sst s4  }
0xd: {  	[smem:$0x3FB2] =	sst s5  }
0xe: {  	[smem:$0x3FB3] =	sst s6  }
0xf: {  	[smem:$0x3FB4] =	sst s7  }
0x10: {  	[smem:$0x3FB5] =	sst s8  }
0x11: {  	[smem:$0x3FB6] =	sst s9;
	s0 =	simm.s32 @!p0 $0x0  }
0x12: {  	s1 =	sld [smem:$0x3F9C];
	s0 =	simm.s32 @p0 $0x1  }
0x13: {  	[smem:$0x3FB7] =	sst s0;
	s0 =	simm.s32 @!p1 $0x0  }
0x14: {  	s2 =	sld [smem:$0x3F9B];
	s0 =	simm.s32 @p1 $0x1  }
0x15: {  	[smem:$0x3FB8] =	sst s0;
	s0 =	simm.s32 @!p2 $0x0  }
0x16: {  	s3 =	sld [smem:$0x3FDB];
	s0 =	simm.s32 @p2 $0x1  }
0x17: {  	s4 =	simm.s32 $0x1BF5;
	[smem:$0x3FBA] =	sst s0  }
0x18: {  	s0 =	sld [smem:$0x3F9D];
	_ =	swait.ge [sflag:s4], $0x0  }
0x19: {  	s7 =	sld [smem:$0x3F9E]  }
0x1a: {  	s8 =	sadd.s32 $0xFFFFE003, lr  }
0x1b: {  	s9 =	sadd.s32 $0xFFFFFEF7, lr;
	s5 =	simm.s32 $0xFFFFFFFF;
	p2 =	slt.u32 s8, $0xFFFFF086  }
0x1c: {  	p1 =	slt.u32 s9, $0xF7A;
	s5 =	simm.s32 @!p2 $0x0  }
0x1d: {  	s5 =	simm.s32 @p1 $0x1;
	p0 =	seq.s32 s7, s2  }
0x1e: {  	s7 =	smul.u32 @!p0 $0xF7A, s2;
	p2 =	seq.s32 @!p0 s5, $0x0  }
0x1f: {  	s9 =	smul.u32 $0xF7A, s1;
	s8 =	simm.s32 @!p0 $0x1BF5;
	p2 =	por !p2, p0  }
0x20: {  	[sflag:s8] =	ssyncset.s32 @!p0 $0xFFFFF086;
	s6 =	sadd.s32 @!p0 s3, s7;
	s7 =	simm.s32 @!p0 $0x108  }
0x21: {  	s3 =	sadd.s32 s3, s9;
	s6 =	sadd.s32 @!p0 $0x88, s6;
	s7 =	simm.s32 @p2 $0x1082  }
0x22: {  	[simem:s7], [sflag:s8] =	dma.local @!p0 [hbm:s6], $0xF7A  }
0x23: {  	s9 =	sor.u32 $0xD0000000, s2;
	s6 =	simm.s32 $0x108;
	_ =	swait.ge @!p0 [sflag:s8], $0x0  }
0x24: {  	s3 =	sadd.s32 $0x88, s3;
	s6 =	simm.s32 @!p1 $0x1082;
	[sflag:s4] =	ssyncset.s32 $0xFFFFF086  }
0x25: {  	[simem:s6], [sflag:s4] =	dma.local [hbm:s3], $0xF7A  }
0x26: {  	[smem:$0x3F9E] =	sst s1;
	(tag) =	ssettag s2;
	_ =	strace s9  }
0x27: {  	s1 =	sld [smem:$0x3FAE]  }
0x28: {  	s2 =	sld [smem:$0x3FAF]  }
0x29: {  	s4 =	sld [smem:$0x3FB1]  }
0x2a: {  	p0 =	seq.s32 s5, $0x0;
	s5 =	sld [smem:$0x3FB2]  }
0x2b: {  	s6 =	sld [smem:$0x3FB3]  }
0x2c: {  	s7 =	sld [smem:$0x3FB4]  }
0x2d: {  	s3 =	simm.s32 $0x108;
	s8 =	sld [smem:$0x3FB5]  }
0x2e: {  	s3 =	simm.s32 @!p0 $0x1082;
	s9 =	sld [smem:$0x3FB6]  }
0x2f: {  	lr =	sadd.s32 s0, s3;
	s0 =	sld [smem:$0x3FAD]  }
0x30: {  	s3 =	sld [smem:$0x3FB0]  }
0x31: {  	[smem:$0x3FB9] =	sst s10  }
0x32: {  	s10 =	sld [smem:$0x3FB7];
	_ =	sdelay $0x3  }
0x33: {  	p0 =	seq.s32 s10, $0x1;
	s10 =	sld [smem:$0x3FB9];
	_ =	sdelay $0x3  }
0x34: {  	[smem:$0x3FB9] =	sst s10  }
0x35: {  	s10 =	sld [smem:$0x3FB8];
	_ =	sdelay $0x3  }
0x36: {  	p1 =	seq.s32 s10, $0x1;
	s10 =	sld [smem:$0x3FB9];
	_ =	sdelay $0x3  }
0x37: {  	[smem:$0x3FB9] =	sst s10  }
0x38: {  	s10 =	sld [smem:$0x3FBA]  }
0x39: {  	_ = 	snop;
	(pc) =	sbr.ind lr, $3  }
0x3a: {  	_ = 	snop  }
0x3b: {  	_ = 	snop  }
0x3c: {  	p2 =	seq.s32 s10, $0x1;
	s10 =	sld [smem:$0x3FB9]  }
0x3d: {  	_ =	shalt  }
0x3e: {  	_ =	shalt  }
0x3f: {  	_ =	shalt  }
0x40: {  	_ =	shalt  }
0x41: {  	_ =	shalt  }
0x42: {  	_ =	shalt  }
0x43: {  	_ =	shalt  }
0x44: {  	_ =	shalt  }
0x45: {  	_ =	shalt  }
0x46: {  	_ =	shalt  }
0x47: {  	_ =	shalt  }
0x48: {  	_ =	shalt  }
0x49: {  	_ =	shalt  }
0x4a: {  	_ =	shalt  }
0x4b: {  	_ =	shalt  }
0x4c: {  	_ =	shalt  }
0x4d: {  	_ =	shalt  }
0x4e: {  	_ =	shalt  }
0x4f: {  	_ =	shalt  }
0x50: {  	_ =	shalt  }
0x51: {  	_ =	shalt  }
0x52: {  	_ =	shalt  }
0x53: {  	_ =	shalt  }
0x54: {  	_ =	shalt  }
0x55: {  	_ =	shalt  }
0x56: {  	_ =	shalt  }
0x57: {  	_ =	shalt  }
0x58: {  	_ =	shalt  }
0x59: {  	_ =	shalt  }
0x5a: {  	_ =	shalt  }
0x5b: {  	_ =	shalt  }
0x5c: {  	_ =	shalt  }
0x5d: {  	_ =	shalt  }
0x5e: {  	_ =	shalt  }
0x5f: {  	_ =	shalt  }
0x60: {  	_ =	shalt  }
0x61: {  	_ =	shalt  }
0x62: {  	_ =	shalt  }
0x63: {  	_ =	shalt  }
0x64: {  	_ =	shalt  }
0x65: {  	_ =	shalt  }
0x66: {  	_ =	shalt  }
0x67: {  	_ =	shalt  }
0x68: {  	_ =	shalt  }
0x69: {  	_ =	shalt  }
0x6a: {  	_ =	shalt  }
0x6b: {  	_ =	shalt  }
0x6c: {  	_ =	shalt  }
0x6d: {  	_ =	shalt  }
0x6e: {  	_ =	shalt  }
0x6f: {  	_ =	shalt  }
0x70: {  	_ =	shalt  }
0x71: {  	_ =	shalt  }
0x72: {  	_ =	shalt  }
0x73: {  	_ =	shalt  }
0x74: {  	_ =	shalt  }
0x75: {  	_ =	shalt  }
0x76: {  	_ =	shalt  }
0x77: {  	_ =	shalt  }
0x78: {  	_ =	shalt  }
0x79: {  	_ =	shalt  }
0x7a: {  	_ =	shalt  }
0x7b: {  	_ =	shalt  }
0x7c: {  	_ =	shalt  }
0x7d: {  	_ =	shalt  }
0x7e: {  	_ =	shalt  }
0x7f: {  	_ =	shalt  }
0x80: {  	_ =	shalt  }
0x81: {  	_ =	shalt  }
0x82: {  	_ =	shalt  }
0x83: {  	_ =	shalt  }
0x84: {  	_ =	shalt  }
0x85: {  	_ =	shalt  }
0x86: {  	_ =	shalt  }
0x87: {  	_ =	shalt  }
.Lfunc_end0:
.L_simem_size_0:
called_computation_lowered:
.L_overlay_start_0:
0x88: {  	s2 =	sld [smem:$0x3FD9]  }
0x89: {  	s3 =	sld [smem:$0x3FFE];
	_ =	sdelay $0x1  }
0x8a: {  	s1 =	srdreg.scid  }
0x8b: {  	s0 =	sand.u32 $0x1, s1  }
0x8c: {  	s17 =	sshll.u32 s0, $0xA;
	s2 =	sadd.s32 s3, s2  }
0x8d: {  	s2 =	sadd.s32 s2, s17  }
0x8e: {  	[smem:$0x3FC5] =	sst s2  }
0x8f: {  	_ = 	snop  }
0x90: {  	s2 =	sld [smem:$0x3FD0];
	(tm) =	ssettm $0x1  }
0x91: {  	s18 =	sld [smem:$0x3FFB];
	_ =	sdelay $0x3  }
0x92: {  	_ =	strace s18  }
0x93: {  	s3 =	sld [smem:$0x3FFC];
	_ =	sdelay $0x3  }
0x94: {  	_ =	strace s3  }
0x95: {  	s3 =	sld [smem:$0x3FFD];
	_ =	sdelay $0x3  }
0x96: {  	_ =	strace s3  }
0x97: {  	_ =	strace $0x8FFFFFFF  }
0x98: {  	s19 =	sld [smem:$0x3FDB];
	_ =	sdelay $0x1  }
0x99: {  	s4 =	simm.s32 $_scs_section_size  }
0x9a: {  	s5 =	simm.s32 $_size__tile_overlayer_lowered;
	s6 =	simm.s32 $_tile_overlayer_lowered  }
0x9b: {  	s22 =	simm.s32 $0x1BFF;
	s21 =	sshll.u32 s6, $0x1;
	s3 =	sadd.s32 s4, s19  }
0x9c: {  	s7 =	simm.s32 $0x0;
	s20 =	sshll.u32 s5, $0x1;
	s5 =	sadd.s32 s21, s3  }
0x9d: {  	[timem:s7], [sflag:s22] =	dma.local [hbm:s5], s20  }
0x9e: {  	_ =	swait.ge [sflag:s22], s20  }
0x9f: {  	s4 =	ssub.s32 $0x0, s20;
	[sflag:s22] =	ssyncset.done $0x0  }
0xa0: {  	[sflag:s22] =	ssyncadd.s32 s4;
	_ =	sdelay $0x1  }
0xa1: {  	s23 =	simm.s32 $0x1B8B  }
0xa2: {  	_ =	swait.ge [sflag:s23], $0x1  }
0xa3: {  	[sflag:s23] =	ssyncset.done $0x0  }
0xa4: {  	s25 =	simm.s32 $0x1B8E;
	s24 =	sld [smem:$0x3FFE];
	[sflag:s23] =	ssyncadd.s32 $0xFFFFFFFF  }
0xa5: {  	s26 =	simm.s32 $execute0_lowered;
	[smem:$0x3FD2] =	sst s25  }
0xa6: {  	s5 =	sshll.u32 s26, $0x1;
	_ =	strace $0x80000046;
	[dreg:$0x1] =	wrdreg $0xFFFFFFFF  }
0xa7: {  	s28 =	simm.s32 $_size_execute0_lowered;
	s3 =	sadd.s32 s3, s5;
	[dreg:$0x0] =	wrdreg $0x0  }
0xa8: {  	s5 =	sshll.u32 s28, $0x1;
	[dreg:$0x2] =	wrdreg s3  }
0xa9: {  	[dreg:$0x3] =	wrdreg s5  }
0xaa: {  	[dreg:$0x4] =	wrdreg $0xC0  }
0xab: {  	_ =	task [dreg:s7], $0x5FFFF  }
0xac: {  	[dreg:$0x1] =	wrdreg $0xFFFFFFFF  }
0xad: {  	[dreg:$0x0] =	wrdreg $0x60  }
0xae: {  	[dreg:$0x2] =	wrdreg s2  }
0xaf: {  	[dreg:$0x3] =	wrdreg s24  }
0xb0: {  	[dreg:$0x4] =	wrdreg $0x9  }
0xb1: {  	_ =	task.clear_ibuf [dreg:s7], $0x5FFFF;
	_ =	strace $0x90000046  }
0xb2: {  	s29 =	simm.s32 $0x9;
	_ =	strace $0x80000048  }
0xb3: {  	_ =	swait.ge [sflag:s29], $0x1  }
0xb4: {  	[sflag:s29] =	ssyncadd.s32 $0xFFFFFFFF  }
0xb5: {  	_ =	strace $0x90000048  }
0xb6: {  	_ =	sfence  }
0xb7: {  	s30 =	sld [smem:$0x0];
	_ =	sdelay $0x2  }
0xb8: {  	s31 =	sshll.u32 s1, $0xD;
	s1 =	sshrl.u32 s1, $0x2  }
0xb9: {  	s3 =	sand.u32 $0x4000, s31;
	s1 =	sadd.s32 s1, s30  }
0xba: {  	s0 =	sor.u32 s3, s0;
	s1 =	sshll.u32 s1, $0x11  }
0xbb: {  	s0 =	sor.u32 s1, s0  }
0xbc: {  	s0 =	sadd.s32 $0x8F2B, s0  }
0xbd: {  	[sflag:s0] =	ssyncadd.remote.s32 $0x1  }
0xbe: {  	_ =	sfence.sel $0xFFFF  }
0xbf: {  	[dreg:$0x0] =	wrdreg $0xFFFFFFFF;
	(pc) =	sbr.abs _section_cstart, $3  }
0xc0: {  	[dreg:$0x1] =	wrdreg $0xFFFFFFFF  }
0xc1: {  	_ =	task.clear_ibuf [dreg:s7], $0x2FFFF;
	_ =	strace $0x9FFFFFFF  }
0xc2: {  	(tm) =	ssettm $0x7FFFFFFF  }
0xc3: {  	_ =	shalt  }
tec
execute0_lowered:
.L_overlay_start_1:
0x0: {  	(tag) =	ssettag $0x1  }
0x1: {  	s1 =	rddreg [dreg:$0x0]  }
0x2: {  	s5 =	rddreg [dreg:$0x1]  }
0x3: {  	s0 =	rddreg [dreg:$0x2]  }
0x4: {  	s2 =	simm.s32 $0x0;
	s3 =	srdreg.scid;
	s9 =	simm.s32 $0x1900  }
0x5: {  	s10 =	simm.s32 $0x1;
	s11 =	simm.s32 $0x40;
	s12 =	simm.s32 $0x80  }
0x6: {  	s13 =	simm.s32 $0x2;
	[smem:$0x7FF] =	sst s2;
	s6 =	sand.u32 $0x1, s3  }
0x7: {  	v0 =	vlaneseq.u32;
	s4 =	sadd.s32 $0x600, s5;
	s3 =	stileid.u32;
	s7 =	ssub.s32 $0x2, s6  }
0x8: {  	s5 =	sadd.s32 $0x19600, s5;
	v0 =	vmul.u32 $0x320, v0;
	_ =	strace $0x80000047;
	s8 =	sshrl.u32 s7, $0x1  }
0x9: {  	s31 =	sshll.u32 s3, $0x3;
	s6 =	sshll.u32 s6, $0x2;
	s7 =	ssub.s32 s7, s8  }
0xa: {  	s6 =	sor.u32 s6, s31;
	v1 =	vadd.s32 $0x9600, v0;
	v2 =	vadd.s32 $0x6400, v0;
	v3 =	vadd.s32 $0x3200, v0;
	s8 =	simm.s32 $0xC80;
	s7 =	smax.u32 s7, $0x1  }
.LBB2_1:
0xb: {  	s14 =	simm.s32 $0x0  }
.LBB2_2:
0xc: {  	s16 =	sshrl.u32 s14, $0x1;
	s15 =	sand.u32 $0x1, s14  }
0xd: {  	s16 =	sadd.s32 s6, s16;
	p0 =	seq.s32 s15, $0x1  }
0xe: {  	s17 =	smul.u32 @!p0 $0x320, s16;
	_ =	sdelay $0x1  }
0xf: {  	s18 =	simm.s32 @!p0 $0x0;
	s17 =	sadd.s32 @!p0 s4, s17  }
0x10: {  	[tilespmem:s18], [sflag:$0x2] =	stream.linear.gather @!p0 [hbm4b:s17+s18], $0x1900, $0x38;
	[tilespmem:$0x1A900] =	vst v63  }
0x11: {  	s28 =	simm.s32 $0x0;
	s17 =	simm.s32 @!p0 $0x2  }
0x12: {  	v4 =	vmov s28;
	s29 =	smul.u32 $0x3200, s15;
	_ =	swait.ge @!p0 [sflag:s17], $0x1900  }
0x13: {  	v7 =	vshll.u32 v4, $0x4;
	[sflag:s17] =	ssyncset.done @!p0 $0x0  }
0x14: {  	s30 =	sshrl.u32 s29, $0x2;
	v4 =	vadd.s32 v0, v7;
	[sflag:s17] =	ssyncadd.s32 @!p0 $0xFFFFE700  }
0x15: {  	[tilespmem:s9], [sflag:$0x1] =	stream.indirect.gather [hbm4b:s1+s8], $0x10, s30, s8, $0xb8;
	[tilespmem:$0x1A900] =	vst v63  }
0x16: {  	_ =	swait.ge [sflag:s10], $0xC800  }
0x17: {  	[sflag:s10] =	ssyncset.done $0x0  }
0x18: {  	[sflag:s10] =	ssyncadd.s32 $0xFFFF3800  }
0x19: {  	v6 =	vld.idx.msk [tilespmem:v4+s9+$0x0], $0xffff  }
0x1a: {  	v5 =	vadd.s32 v3, v7;
	_ =	sdelay $0x2  }
0x1b: {  	s17 =	simm.s32 $0xE300  }
0x1c: {  	[tilespmem:s17+$0xFFFFFE00] =	vst v6  }
0x1d: {  	v8 =	vld.idx.msk [tilespmem:v5+s9+$0x0], $0xffff  }
0x1e: {  	v6 =	vadd.s32 v2, v7;
	_ =	sdelay $0x3  }
0x1f: {  	[tilespmem:s17+$0xFFFFFE10] =	vst v8  }
0x20: {  	v8 =	vld.idx.msk [tilespmem:v6+s9+$0x0], $0xffff  }
0x21: {  	v7 =	vadd.s32 v1, v7;
	_ =	sdelay $0x3  }
0x22: {  	[tilespmem:s17+$0xFFFFFE20] =	vst v8  }
0x23: {  	v8 =	vld.idx.msk [tilespmem:v7+s9+$0x0], $0xffff  }
0x24: {  	v9 =	vor.u32 $0x1, v4;
	_ =	sdelay $0x3  }
0x25: {  	[tilespmem:s17+$0xFFFFFE30] =	vst v8  }
0x26: {  	v8 =	vld.idx.msk [tilespmem:v9+s9+$0x0], $0xffff  }
0x27: {  	v61 =	vor.u32 $0x1, v5;
	_ =	sdelay $0x3  }
0x28: {  	[tilespmem:s17+$0xFFFFFE40] =	vst v8  }
0x29: {  	v8 =	vld.idx.msk [tilespmem:v61+s9+$0x0], $0xffff  }
0x2a: {  	v62 =	vor.u32 $0x1, v6;
	_ =	sdelay $0x3  }
0x2b: {  	[tilespmem:s17+$0xFFFFFE50] =	vst v8  }
0x2c: {  	v8 =	vld.idx.msk [tilespmem:v62+s9+$0x0], $0xffff  }
0x2d: {  	v63 =	vor.u32 $0x1, v7;
	_ =	sdelay $0x3  }
0x2e: {  	[tilespmem:s17+$0xFFFFFE60] =	vst v8  }
0x2f: {  	v8 =	vld.idx.msk [tilespmem:v63+s9+$0x0], $0xffff  }
0x30: {  	v12 =	vor.u32 $0x2, v4;
	_ =	sdelay $0x3  }
0x31: {  	[tilespmem:s17+$0xFFFFFE70] =	vst v8  }
0x32: {  	v8 =	vld.idx.msk [tilespmem:v12+s9+$0x0], $0xffff  }
0x33: {  	v13 =	vor.u32 $0x2, v5;
	_ =	sdelay $0x3  }
0x34: {  	[tilespmem:s17+$0xFFFFFE80] =	vst v8  }
0x35: {  	v8 =	vld.idx.msk [tilespmem:v13+s9+$0x0], $0xffff  }
0x36: {  	v14 =	vor.u32 $0x2, v6;
	_ =	sdelay $0x3  }
0x37: {  	[tilespmem:s17+$0xFFFFFE90] =	vst v8  }
0x38: {  	v8 =	vld.idx.msk [tilespmem:v14+s9+$0x0], $0xffff  }
0x39: {  	v15 =	vor.u32 $0x2, v7;
	_ =	sdelay $0x3  }
0x3a: {  	[tilespmem:s17+$0xFFFFFEA0] =	vst v8  }
0x3b: {  	v8 =	vld.idx.msk [tilespmem:v15+s9+$0x0], $0xffff  }
0x3c: {  	v16 =	vor.u32 $0x3, v4;
	_ =	sdelay $0x3  }
0x3d: {  	[tilespmem:s17+$0xFFFFFEB0] =	vst v8  }
0x3e: {  	v8 =	vld.idx.msk [tilespmem:v16+s9+$0x0], $0xffff  }
0x3f: {  	v17 =	vor.u32 $0x3, v5;
	_ =	sdelay $0x3  }
0x40: {  	[tilespmem:s17+$0xFFFFFEC0] =	vst v8  }
0x41: {  	v8 =	vld.idx.msk [tilespmem:v17+s9+$0x0], $0xffff  }
0x42: {  	v18 =	vor.u32 $0x3, v6;
	_ =	sdelay $0x3  }
0x43: {  	[tilespmem:s17+$0xFFFFFED0] =	vst v8  }
0x44: {  	v8 =	vld.idx.msk [tilespmem:v18+s9+$0x0], $0xffff  }
0x45: {  	v19 =	vor.u32 $0x3, v7;
	_ =	sdelay $0x3  }
0x46: {  	[tilespmem:s17+$0xFFFFFEE0] =	vst v8  }
0x47: {  	v8 =	vld.idx.msk [tilespmem:v19+s9+$0x0], $0xffff  }
0x48: {  	v20 =	vor.u32 $0x4, v4;
	_ =	sdelay $0x3  }
0x49: {  	[tilespmem:s17+$0xFFFFFEF0] =	vst v8  }
0x4a: {  	v8 =	vld.idx.msk [tilespmem:v20+s9+$0x0], $0xffff  }
0x4b: {  	v21 =	vor.u32 $0x4, v5;
	_ =	sdelay $0x3  }
0x4c: {  	[tilespmem:s17+$0xFFFFFF00] =	vst v8  }
0x4d: {  	v8 =	vld.idx.msk [tilespmem:v21+s9+$0x0], $0xffff  }
0x4e: {  	v22 =	vor.u32 $0x4, v6;
	_ =	sdelay $0x3  }
0x4f: {  	[tilespmem:s17+$0xFFFFFF10] =	vst v8  }
0x50: {  	v8 =	vld.idx.msk [tilespmem:v22+s9+$0x0], $0xffff  }
0x51: {  	v23 =	vor.u32 $0x4, v7;
	_ =	sdelay $0x3  }
0x52: {  	[tilespmem:s17+$0xFFFFFF20] =	vst v8  }
0x53: {  	v8 =	vld.idx.msk [tilespmem:v23+s9+$0x0], $0xffff  }
0x54: {  	v24 =	vor.u32 $0x5, v4;
	_ =	sdelay $0x3  }
0x55: {  	[tilespmem:s17+$0xFFFFFF30] =	vst v8  }
0x56: {  	v8 =	vld.idx.msk [tilespmem:v24+s9+$0x0], $0xffff  }
0x57: {  	v25 =	vor.u32 $0x5, v5;
	_ =	sdelay $0x3  }
0x58: {  	[tilespmem:s17+$0xFFFFFF40] =	vst v8  }
0x59: {  	v8 =	vld.idx.msk [tilespmem:v25+s9+$0x0], $0xffff  }
0x5a: {  	v26 =	vor.u32 $0x5, v6;
	_ =	sdelay $0x3  }
0x5b: {  	[tilespmem:s17+$0xFFFFFF50] =	vst v8  }
0x5c: {  	v8 =	vld.idx.msk [tilespmem:v26+s9+$0x0], $0xffff  }
0x5d: {  	v27 =	vor.u32 $0x5, v7;
	_ =	sdelay $0x3  }
0x5e: {  	[tilespmem:s17+$0xFFFFFF60] =	vst v8  }
0x5f: {  	v8 =	vld.idx.msk [tilespmem:v27+s9+$0x0], $0xffff  }
0x60: {  	v28 =	vor.u32 $0x6, v4;
	_ =	sdelay $0x3  }
0x61: {  	[tilespmem:s17+$0xFFFFFF70] =	vst v8  }
0x62: {  	v8 =	vld.idx.msk [tilespmem:v28+s9+$0x0], $0xffff  }
0x63: {  	v29 =	vor.u32 $0x6, v5;
	_ =	sdelay $0x3  }
0x64: {  	[tilespmem:s17+$0xFFFFFF80] =	vst v8  }
0x65: {  	v8 =	vld.idx.msk [tilespmem:v29+s9+$0x0], $0xffff  }
0x66: {  	v30 =	vor.u32 $0x6, v6;
	_ =	sdelay $0x3  }
0x67: {  	[tilespmem:s17+$0xFFFFFF90] =	vst v8  }
0x68: {  	v8 =	vld.idx.msk [tilespmem:v30+s9+$0x0], $0xffff  }
0x69: {  	v31 =	vor.u32 $0x6, v7;
	_ =	sdelay $0x3  }
0x6a: {  	[tilespmem:s17+$0xFFFFFFA0] =	vst v8  }
0x6b: {  	v8 =	vld.idx.msk [tilespmem:v31+s9+$0x0], $0xffff  }
0x6c: {  	v32 =	vor.u32 $0x7, v4;
	_ =	sdelay $0x3  }
0x6d: {  	[tilespmem:s17+$0xFFFFFFB0] =	vst v8  }
0x6e: {  	v8 =	vld.idx.msk [tilespmem:v32+s9+$0x0], $0xffff  }
0x6f: {  	v33 =	vor.u32 $0x7, v5;
	_ =	sdelay $0x3  }
0x70: {  	[tilespmem:s17+$0xFFFFFFC0] =	vst v8  }
0x71: {  	v8 =	vld.idx.msk [tilespmem:v33+s9+$0x0], $0xffff  }
0x72: {  	v34 =	vor.u32 $0x7, v6;
	_ =	sdelay $0x3  }
0x73: {  	[tilespmem:s17+$0xFFFFFFD0] =	vst v8  }
0x74: {  	v8 =	vld.idx.msk [tilespmem:v34+s9+$0x0], $0xffff  }
0x75: {  	v35 =	vor.u32 $0x7, v7;
	_ =	sdelay $0x3  }
0x76: {  	[tilespmem:s17+$0xFFFFFFE0] =	vst v8  }
0x77: {  	v8 =	vld.idx.msk [tilespmem:v35+s9+$0x0], $0xffff  }
0x78: {  	v36 =	vor.u32 $0x8, v4;
	_ =	sdelay $0x3  }
0x79: {  	[tilespmem:s17+$0xFFFFFFF0] =	vst v8  }
0x7a: {  	v8 =	vld.idx.msk [tilespmem:v36+s9+$0x0], $0xffff  }
0x7b: {  	v37 =	vor.u32 $0x8, v5;
	_ =	sdelay $0x3  }
0x7c: {  	[tilespmem:s17+$0x0] =	vst v8  }
0x7d: {  	v8 =	vld.idx.msk [tilespmem:v37+s9+$0x0], $0xffff  }
0x7e: {  	v38 =	vor.u32 $0x8, v6;
	_ =	sdelay $0x3  }
0x7f: {  	[tilespmem:s17+$0x10] =	vst v8  }
0x80: {  	v8 =	vld.idx.msk [tilespmem:v38+s9+$0x0], $0xffff  }
0x81: {  	v39 =	vor.u32 $0x8, v7;
	_ =	sdelay $0x3  }
0x82: {  	[tilespmem:s17+$0x20] =	vst v8  }
0x83: {  	v8 =	vld.idx.msk [tilespmem:v39+s9+$0x0], $0xffff  }
0x84: {  	v40 =	vor.u32 $0x9, v4;
	_ =	sdelay $0x3  }
0x85: {  	[tilespmem:s17+$0x30] =	vst v8  }
0x86: {  	v8 =	vld.idx.msk [tilespmem:v40+s9+$0x0], $0xffff  }
0x87: {  	v41 =	vor.u32 $0x9, v5;
	_ =	sdelay $0x3  }
0x88: {  	[tilespmem:s17+$0x40] =	vst v8  }
0x89: {  	v8 =	vld.idx.msk [tilespmem:v41+s9+$0x0], $0xffff  }
0x8a: {  	v42 =	vor.u32 $0x9, v6;
	_ =	sdelay $0x3  }
0x8b: {  	[tilespmem:s17+$0x50] =	vst v8  }
0x8c: {  	v8 =	vld.idx.msk [tilespmem:v42+s9+$0x0], $0xffff  }
0x8d: {  	v43 =	vor.u32 $0x9, v7;
	_ =	sdelay $0x3  }
0x8e: {  	[tilespmem:s17+$0x60] =	vst v8  }
0x8f: {  	v8 =	vld.idx.msk [tilespmem:v43+s9+$0x0], $0xffff  }
0x90: {  	v44 =	vor.u32 $0xA, v4;
	_ =	sdelay $0x3  }
0x91: {  	[tilespmem:s17+$0x70] =	vst v8  }
0x92: {  	v8 =	vld.idx.msk [tilespmem:v44+s9+$0x0], $0xffff  }
0x93: {  	v45 =	vor.u32 $0xA, v5;
	_ =	sdelay $0x3  }
0x94: {  	[tilespmem:s17+$0x80] =	vst v8  }
0x95: {  	v8 =	vld.idx.msk [tilespmem:v45+s9+$0x0], $0xffff  }
0x96: {  	v46 =	vor.u32 $0xA, v6;
	_ =	sdelay $0x3  }
0x97: {  	[tilespmem:s17+$0x90] =	vst v8  }
0x98: {  	v8 =	vld.idx.msk [tilespmem:v46+s9+$0x0], $0xffff  }
0x99: {  	v47 =	vor.u32 $0xA, v7;
	_ =	sdelay $0x3  }
0x9a: {  	[tilespmem:s17+$0xA0] =	vst v8  }
0x9b: {  	v8 =	vld.idx.msk [tilespmem:v47+s9+$0x0], $0xffff  }
0x9c: {  	v48 =	vor.u32 $0xB, v4;
	_ =	sdelay $0x3  }
0x9d: {  	[tilespmem:s17+$0xB0] =	vst v8  }
0x9e: {  	v8 =	vld.idx.msk [tilespmem:v48+s9+$0x0], $0xffff  }
0x9f: {  	v49 =	vor.u32 $0xB, v5;
	_ =	sdelay $0x3  }
0xa0: {  	[tilespmem:s17+$0xC0] =	vst v8  }
0xa1: {  	v8 =	vld.idx.msk [tilespmem:v49+s9+$0x0], $0xffff  }
0xa2: {  	v50 =	vor.u32 $0xB, v6;
	_ =	sdelay $0x3  }
0xa3: {  	[tilespmem:s17+$0xD0] =	vst v8  }
0xa4: {  	v8 =	vld.idx.msk [tilespmem:v50+s9+$0x0], $0xffff  }
0xa5: {  	v51 =	vor.u32 $0xB, v7;
	_ =	sdelay $0x3  }
0xa6: {  	[tilespmem:s17+$0xE0] =	vst v8  }
0xa7: {  	v8 =	vld.idx.msk [tilespmem:v51+s9+$0x0], $0xffff  }
0xa8: {  	v52 =	vor.u32 $0xC, v4;
	_ =	sdelay $0x3  }
0xa9: {  	[tilespmem:s17+$0xF0] =	vst v8  }
0xaa: {  	v8 =	vld.idx.msk [tilespmem:v52+s9+$0x0], $0xffff  }
0xab: {  	v53 =	vor.u32 $0xC, v5;
	_ =	sdelay $0x3  }
0xac: {  	[tilespmem:s17+$0x100] =	vst v8  }
0xad: {  	v8 =	vld.idx.msk [tilespmem:v53+s9+$0x0], $0xffff  }
0xae: {  	v54 =	vor.u32 $0xC, v6;
	_ =	sdelay $0x3  }
0xaf: {  	[tilespmem:s17+$0x110] =	vst v8  }
0xb0: {  	v8 =	vld.idx.msk [tilespmem:v54+s9+$0x0], $0xffff  }
0xb1: {  	v55 =	vor.u32 $0xC, v7;
	_ =	sdelay $0x3  }
0xb2: {  	[tilespmem:s17+$0x120] =	vst v8  }
0xb3: {  	v8 =	vld.idx.msk [tilespmem:v55+s9+$0x0], $0xffff  }
0xb4: {  	v56 =	vor.u32 $0xD, v4;
	_ =	sdelay $0x3  }
0xb5: {  	[tilespmem:s17+$0x130] =	vst v8  }
0xb6: {  	v8 =	vld.idx.msk [tilespmem:v56+s9+$0x0], $0xffff  }
0xb7: {  	v57 =	vor.u32 $0xD, v5;
	_ =	sdelay $0x3  }
0xb8: {  	[tilespmem:s17+$0x140] =	vst v8  }
0xb9: {  	v8 =	vld.idx.msk [tilespmem:v57+s9+$0x0], $0xffff  }
0xba: {  	v58 =	vor.u32 $0xD, v6;
	_ =	sdelay $0x3  }
0xbb: {  	[tilespmem:s17+$0x150] =	vst v8  }
0xbc: {  	v8 =	vld.idx.msk [tilespmem:v58+s9+$0x0], $0xffff  }
0xbd: {  	v59 =	vor.u32 $0xD, v7;
	_ =	sdelay $0x3  }
0xbe: {  	[tilespmem:s17+$0x160] =	vst v8  }
0xbf: {  	v8 =	vld.idx.msk [tilespmem:v59+s9+$0x0], $0xffff  }
0xc0: {  	v60 =	vor.u32 $0xE, v4;
	_ =	sdelay $0x3  }
0xc1: {  	[tilespmem:s17+$0x170] =	vst v8  }
0xc2: {  	v8 =	vld.idx.msk [tilespmem:v60+s9+$0x0], $0xffff  }
0xc3: {  	v61 =	vor.u32 $0xE, v5;
	_ =	sdelay $0x3  }
0xc4: {  	[tilespmem:s17+$0x180] =	vst v8  }
0xc5: {  	v8 =	vld.idx.msk [tilespmem:v61+s9+$0x0], $0xffff  }
0xc6: {  	v62 =	vor.u32 $0xE, v6;
	_ =	sdelay $0x3  }
0xc7: {  	[tilespmem:s17+$0x190] =	vst v8  }
0xc8: {  	v8 =	vld.idx.msk [tilespmem:v62+s9+$0x0], $0xffff  }
0xc9: {  	v63 =	vor.u32 $0xE, v7;
	_ =	sdelay $0x3  }
0xca: {  	[tilespmem:s17+$0x1A0] =	vst v8  }
0xcb: {  	v8 =	vld.idx.msk [tilespmem:v63+s9+$0x0], $0xffff  }
0xcc: {  	v4 =	vor.u32 $0xF, v4;
	_ =	sdelay $0x3  }
0xcd: {  	[tilespmem:s17+$0x1B0] =	vst v8  }
0xce: {  	v4 =	vld.idx.msk [tilespmem:v4+s9+$0x0], $0xffff  }
0xcf: {  	v5 =	vor.u32 $0xF, v5;
	_ =	sdelay $0x3  }
0xd0: {  	[tilespmem:s17+$0x1C0] =	vst v4  }
0xd1: {  	v4 =	vld.idx.msk [tilespmem:v5+s9+$0x0], $0xffff  }
0xd2: {  	v5 =	vor.u32 $0xF, v6;
	_ =	sdelay $0x3  }
0xd3: {  	[tilespmem:s17+$0x1D0] =	vst v4  }
0xd4: {  	v4 =	vld.idx.msk [tilespmem:v5+s9+$0x0], $0xffff  }
0xd5: {  	v5 =	vor.u32 $0xF, v7;
	_ =	sdelay $0x3  }
0xd6: {  	s31 =	simm.s32 $0x1;
	[tilespmem:s17+$0x1E0] =	vst v4  }
0xd7: {  	s18 =	simm.s32 $0x2;
	v4 =	vmov s31;
	v5 =	vld.idx.msk [tilespmem:v5+s9+$0x0], $0xffff  }
.LBB2_3:
0xd8: {  	p0 =	sne.s32 s18, $0x31;
	v7 =	vshll.u32 v4, $0x4  }
0xd9: {  	v4 =	vadd.s32 v0, v7;
	_ =	sdelay $0x3  }
0xda: {  	[tilespmem:s17+$0x1F0] =	vst v5  }
0xdb: {  	v6 =	vld.idx.msk [tilespmem:v4+s9+$0x0], $0xffff;
	_ =	sdelay $0x1  }
0xdc: {  	v5 =	vadd.s32 v3, v7;
	_ =	sdelay $0x2  }
0xdd: {  	s17 =	sadd.s32 $0x400, s17  }
0xde: {  	[tilespmem:s17+$0xFFFFFE00] =	vst v6  }
0xdf: {  	v8 =	vld.idx.msk [tilespmem:v5+s9+$0x0], $0xffff;
	_ =	sdelay $0x1  }
0xe0: {  	v6 =	vadd.s32 v2, v7;
	_ =	sdelay $0x3  }
0xe1: {  	[tilespmem:s17+$0xFFFFFE10] =	vst v8  }
0xe2: {  	v8 =	vld.idx.msk [tilespmem:v6+s9+$0x0], $0xffff;
	_ =	sdelay $0x1  }
0xe3: {  	v7 =	vadd.s32 v1, v7;
	_ =	sdelay $0x3  }
0xe4: {  	[tilespmem:s17+$0xFFFFFE20] =	vst v8  }
0xe5: {  	v8 =	vld.idx.msk [tilespmem:v7+s9+$0x0], $0xffff;
	_ =	sdelay $0x1  }
0xe6: {  	v9 =	vor.u32 $0x1, v4;
	_ =	sdelay $0x3  }
0xe7: {  	[tilespmem:s17+$0xFFFFFE30] =	vst v8  }
0xe8: {  	v8 =	vld.idx.msk [tilespmem:v9+s9+$0x0], $0xffff;
	_ =	sdelay $0x1  }
0xe9: {  	v9 =	vor.u32 $0x1, v5;
	_ =	sdelay $0x3  }
0xea: {  	[tilespmem:s17+$0xFFFFFE40] =	vst v8  }
0xeb: {  	v8 =	vld.idx.msk [tilespmem:v9+s9+$0x0], $0xffff;
	_ =	sdelay $0x1  }
0xec: {  	v9 =	vor.u32 $0x1, v6;
	_ =	sdelay $0x3  }
0xed: {  	[tilespmem:s17+$0xFFFFFE50] =	vst v8  }
0xee: {  	v8 =	vld.idx.msk [tilespmem:v9+s9+$0x0], $0xffff;
	_ =	sdelay $0x1  }
0xef: {  	v9 =	vor.u32 $0x1, v7;
	_ =	sdelay $0x3  }
0xf0: {  	[tilespmem:s17+$0xFFFFFE60] =	vst v8  }
0xf1: {  	v8 =	vld.idx.msk [tilespmem:v9+s9+$0x0], $0xffff;
	_ =	sdelay $0x1  }
0xf2: {  	v9 =	vor.u32 $0x2, v4;
	_ =	sdelay $0x3  }
0xf3: {  	[tilespmem:s17+$0xFFFFFE70] =	vst v8  }
0xf4: {  	v8 =	vld.idx.msk [tilespmem:v9+s9+$0x0], $0xffff;
	_ =	sdelay $0x1  }
0xf5: {  	v9 =	vor.u32 $0x2, v5;
	_ =	sdelay $0x3  }
0xf6: {  	[tilespmem:s17+$0xFFFFFE80] =	vst v8  }
0xf7: {  	v8 =	vld.idx.msk [tilespmem:v9+s9+$0x0], $0xffff;
	_ =	sdelay $0x1  }
0xf8: {  	v9 =	vor.u32 $0x2, v6;
	_ =	sdelay $0x3  }
0xf9: {  	[tilespmem:s17+$0xFFFFFE90] =	vst v8  }
0xfa: {  	v8 =	vld.idx.msk [tilespmem:v9+s9+$0x0], $0xffff;
	_ =	sdelay $0x1  }
0xfb: {  	v9 =	vor.u32 $0x2, v7;
	_ =	sdelay $0x3  }
0xfc: {  	[tilespmem:s17+$0xFFFFFEA0] =	vst v8  }
0xfd: {  	v8 =	vld.idx.msk [tilespmem:v9+s9+$0x0], $0xffff;
	_ =	sdelay $0x1  }
0xfe: {  	v9 =	vor.u32 $0x3, v4;
	_ =	sdelay $0x3  }
0xff: {  	[tilespmem:s17+$0xFFFFFEB0] =	vst v8  }
0x100: {  	v8 =	vld.idx.msk [tilespmem:v9+s9+$0x0], $0xffff;
	_ =	sdelay $0x1  }
0x101: {  	v9 =	vor.u32 $0x3, v5;
	_ =	sdelay $0x3  }
0x102: {  	[tilespmem:s17+$0xFFFFFEC0] =	vst v8  }
0x103: {  	v8 =	vld.idx.msk [tilespmem:v9+s9+$0x0], $0xffff;
	_ =	sdelay $0x1  }
0x104: {  	v9 =	vor.u32 $0x3, v6;
	_ =	sdelay $0x3  }
0x105: {  	[tilespmem:s17+$0xFFFFFED0] =	vst v8  }
0x106: {  	v8 =	vld.idx.msk [tilespmem:v9+s9+$0x0], $0xffff;
	_ =	sdelay $0x1  }
0x107: {  	v9 =	vor.u32 $0x3, v7;
	_ =	sdelay $0x3  }
0x108: {  	[tilespmem:s17+$0xFFFFFEE0] =	vst v8  }
0x109: {  	v8 =	vld.idx.msk [tilespmem:v9+s9+$0x0], $0xffff;
	_ =	sdelay $0x1  }
0x10a: {  	v9 =	vor.u32 $0x4, v4;
	_ =	sdelay $0x3  }
0x10b: {  	[tilespmem:s17+$0xFFFFFEF0] =	vst v8  }
0x10c: {  	v8 =	vld.idx.msk [tilespmem:v9+s9+$0x0], $0xffff;
	_ =	sdelay $0x1  }
0x10d: {  	v9 =	vor.u32 $0x4, v5;
	_ =	sdelay $0x3  }
0x10e: {  	[tilespmem:s17+$0xFFFFFF00] =	vst v8  }
0x10f: {  	v8 =	vld.idx.msk [tilespmem:v9+s9+$0x0], $0xffff;
	_ =	sdelay $0x1  }
0x110: {  	v9 =	vor.u32 $0x4, v6;
	_ =	sdelay $0x3  }
0x111: {  	[tilespmem:s17+$0xFFFFFF10] =	vst v8  }
0x112: {  	v8 =	vld.idx.msk [tilespmem:v9+s9+$0x0], $0xffff;
	_ =	sdelay $0x1  }
0x113: {  	v9 =	vor.u32 $0x4, v7;
	_ =	sdelay $0x3  }
0x114: {  	[tilespmem:s17+$0xFFFFFF20] =	vst v8  }
0x115: {  	v8 =	vld.idx.msk [tilespmem:v9+s9+$0x0], $0xffff;
	_ =	sdelay $0x1  }
0x116: {  	v9 =	vor.u32 $0x5, v4;
	_ =	sdelay $0x3  }
0x117: {  	[tilespmem:s17+$0xFFFFFF30] =	vst v8  }
0x118: {  	v8 =	vld.idx.msk [tilespmem:v9+s9+$0x0], $0xffff;
	_ =	sdelay $0x1  }
0x119: {  	v9 =	vor.u32 $0x5, v5;
	_ =	sdelay $0x3  }
0x11a: {  	[tilespmem:s17+$0xFFFFFF40] =	vst v8  }
0x11b: {  	v8 =	vld.idx.msk [tilespmem:v9+s9+$0x0], $0xffff;
	_ =	sdelay $0x1  }
0x11c: {  	v9 =	vor.u32 $0x5, v6;
	_ =	sdelay $0x3  }
0x11d: {  	[tilespmem:s17+$0xFFFFFF50] =	vst v8  }
0x11e: {  	v8 =	vld.idx.msk [tilespmem:v9+s9+$0x0], $0xffff;
	_ =	sdelay $0x1  }
0x11f: {  	v9 =	vor.u32 $0x5, v7;
	_ =	sdelay $0x3  }
0x120: {  	[tilespmem:s17+$0xFFFFFF60] =	vst v8  }
0x121: {  	v8 =	vld.idx.msk [tilespmem:v9+s9+$0x0], $0xffff;
	_ =	sdelay $0x1  }
0x122: {  	v9 =	vor.u32 $0x6, v4;
	_ =	sdelay $0x3  }
0x123: {  	[tilespmem:s17+$0xFFFFFF70] =	vst v8  }
0x124: {  	v8 =	vld.idx.msk [tilespmem:v9+s9+$0x0], $0xffff;
	_ =	sdelay $0x1  }
0x125: {  	v9 =	vor.u32 $0x6, v5;
	_ =	sdelay $0x3  }
0x126: {  	[tilespmem:s17+$0xFFFFFF80] =	vst v8  }
0x127: {  	v8 =	vld.idx.msk [tilespmem:v9+s9+$0x0], $0xffff;
	_ =	sdelay $0x1  }
0x128: {  	v9 =	vor.u32 $0x6, v6;
	_ =	sdelay $0x3  }
0x129: {  	[tilespmem:s17+$0xFFFFFF90] =	vst v8  }
0x12a: {  	v8 =	vld.idx.msk [tilespmem:v9+s9+$0x0], $0xffff;
	_ =	sdelay $0x1  }
0x12b: {  	v9 =	vor.u32 $0x6, v7;
	_ =	sdelay $0x3  }
0x12c: {  	[tilespmem:s17+$0xFFFFFFA0] =	vst v8  }
0x12d: {  	v8 =	vld.idx.msk [tilespmem:v9+s9+$0x0], $0xffff;
	_ =	sdelay $0x1  }
0x12e: {  	v9 =	vor.u32 $0x7, v4;
	_ =	sdelay $0x3  }
0x12f: {  	[tilespmem:s17+$0xFFFFFFB0] =	vst v8  }
0x130: {  	v8 =	vld.idx.msk [tilespmem:v9+s9+$0x0], $0xffff;
	_ =	sdelay $0x1  }
0x131: {  	v9 =	vor.u32 $0x7, v5;
	_ =	sdelay $0x3  }
0x132: {  	[tilespmem:s17+$0xFFFFFFC0] =	vst v8  }
0x133: {  	v8 =	vld.idx.msk [tilespmem:v9+s9+$0x0], $0xffff;
	_ =	sdelay $0x1  }
0x134: {  	v9 =	vor.u32 $0x7, v6;
	_ =	sdelay $0x3  }
0x135: {  	[tilespmem:s17+$0xFFFFFFD0] =	vst v8  }
0x136: {  	v8 =	vld.idx.msk [tilespmem:v9+s9+$0x0], $0xffff;
	_ =	sdelay $0x1  }
0x137: {  	v9 =	vor.u32 $0x7, v7;
	_ =	sdelay $0x3  }
0x138: {  	[tilespmem:s17+$0xFFFFFFE0] =	vst v8  }
0x139: {  	v8 =	vld.idx.msk [tilespmem:v9+s9+$0x0], $0xffff;
	_ =	sdelay $0x1  }
0x13a: {  	v9 =	vor.u32 $0x8, v4;
	_ =	sdelay $0x3  }
0x13b: {  	[tilespmem:s17+$0xFFFFFFF0] =	vst v8  }
0x13c: {  	v8 =	vld.idx.msk [tilespmem:v9+s9+$0x0], $0xffff;
	_ =	sdelay $0x1  }
0x13d: {  	v9 =	vor.u32 $0x8, v5;
	_ =	sdelay $0x3  }
0x13e: {  	[tilespmem:s17+$0x0] =	vst v8  }
0x13f: {  	v8 =	vld.idx.msk [tilespmem:v9+s9+$0x0], $0xffff;
	_ =	sdelay $0x1  }
0x140: {  	v9 =	vor.u32 $0x8, v6;
	_ =	sdelay $0x3  }
0x141: {  	[tilespmem:s17+$0x10] =	vst v8  }
0x142: {  	v8 =	vld.idx.msk [tilespmem:v9+s9+$0x0], $0xffff;
	_ =	sdelay $0x1  }
0x143: {  	v9 =	vor.u32 $0x8, v7;
	_ =	sdelay $0x3  }
0x144: {  	[tilespmem:s17+$0x20] =	vst v8  }
0x145: {  	v8 =	vld.idx.msk [tilespmem:v9+s9+$0x0], $0xffff;
	_ =	sdelay $0x1  }
0x146: {  	v9 =	vor.u32 $0x9, v4;
	_ =	sdelay $0x3  }
0x147: {  	[tilespmem:s17+$0x30] =	vst v8  }
0x148: {  	v8 =	vld.idx.msk [tilespmem:v9+s9+$0x0], $0xffff;
	_ =	sdelay $0x1  }
0x149: {  	v9 =	vor.u32 $0x9, v5;
	_ =	sdelay $0x3  }
0x14a: {  	[tilespmem:s17+$0x40] =	vst v8  }
0x14b: {  	v8 =	vld.idx.msk [tilespmem:v9+s9+$0x0], $0xffff;
	_ =	sdelay $0x1  }
0x14c: {  	v9 =	vor.u32 $0x9, v6;
	_ =	sdelay $0x3  }
0x14d: {  	[tilespmem:s17+$0x50] =	vst v8  }
0x14e: {  	v8 =	vld.idx.msk [tilespmem:v9+s9+$0x0], $0xffff;
	_ =	sdelay $0x1  }
0x14f: {  	v9 =	vor.u32 $0x9, v7;
	_ =	sdelay $0x3  }
0x150: {  	[tilespmem:s17+$0x60] =	vst v8  }
0x151: {  	v8 =	vld.idx.msk [tilespmem:v9+s9+$0x0], $0xffff;
	_ =	sdelay $0x1  }
0x152: {  	v9 =	vor.u32 $0xA, v4;
	_ =	sdelay $0x3  }
0x153: {  	[tilespmem:s17+$0x70] =	vst v8  }
0x154: {  	v8 =	vld.idx.msk [tilespmem:v9+s9+$0x0], $0xffff;
	_ =	sdelay $0x1  }
0x155: {  	v9 =	vor.u32 $0xA, v5;
	_ =	sdelay $0x3  }
0x156: {  	[tilespmem:s17+$0x80] =	vst v8  }
0x157: {  	v8 =	vld.idx.msk [tilespmem:v9+s9+$0x0], $0xffff;
	_ =	sdelay $0x1  }
0x158: {  	v9 =	vor.u32 $0xA, v6;
	_ =	sdelay $0x3  }
0x159: {  	[tilespmem:s17+$0x90] =	vst v8  }
0x15a: {  	v8 =	vld.idx.msk [tilespmem:v9+s9+$0x0], $0xffff;
	_ =	sdelay $0x1  }
0x15b: {  	v9 =	vor.u32 $0xA, v7;
	_ =	sdelay $0x3  }
0x15c: {  	[tilespmem:s17+$0xA0] =	vst v8  }
0x15d: {  	v8 =	vld.idx.msk [tilespmem:v9+s9+$0x0], $0xffff;
	_ =	sdelay $0x1  }
0x15e: {  	v9 =	vor.u32 $0xB, v4;
	_ =	sdelay $0x3  }
0x15f: {  	[tilespmem:s17+$0xB0] =	vst v8  }
0x160: {  	v8 =	vld.idx.msk [tilespmem:v9+s9+$0x0], $0xffff;
	_ =	sdelay $0x1  }
0x161: {  	v9 =	vor.u32 $0xB, v5;
	_ =	sdelay $0x3  }
0x162: {  	[tilespmem:s17+$0xC0] =	vst v8  }
0x163: {  	v8 =	vld.idx.msk [tilespmem:v9+s9+$0x0], $0xffff;
	_ =	sdelay $0x1  }
0x164: {  	v9 =	vor.u32 $0xB, v6;
	_ =	sdelay $0x3  }
0x165: {  	[tilespmem:s17+$0xD0] =	vst v8  }
0x166: {  	v8 =	vld.idx.msk [tilespmem:v9+s9+$0x0], $0xffff;
	_ =	sdelay $0x1  }
0x167: {  	v9 =	vor.u32 $0xB, v7;
	_ =	sdelay $0x3  }
0x168: {  	[tilespmem:s17+$0xE0] =	vst v8  }
0x169: {  	v8 =	vld.idx.msk [tilespmem:v9+s9+$0x0], $0xffff;
	_ =	sdelay $0x1  }
0x16a: {  	v9 =	vor.u32 $0xC, v4;
	_ =	sdelay $0x3  }
0x16b: {  	[tilespmem:s17+$0xF0] =	vst v8  }
0x16c: {  	v8 =	vld.idx.msk [tilespmem:v9+s9+$0x0], $0xffff;
	_ =	sdelay $0x1  }
0x16d: {  	v9 =	vor.u32 $0xC, v5;
	_ =	sdelay $0x3  }
0x16e: {  	[tilespmem:s17+$0x100] =	vst v8  }
0x16f: {  	v8 =	vld.idx.msk [tilespmem:v9+s9+$0x0], $0xffff;
	_ =	sdelay $0x1  }
0x170: {  	v9 =	vor.u32 $0xC, v6;
	_ =	sdelay $0x3  }
0x171: {  	[tilespmem:s17+$0x110] =	vst v8  }
0x172: {  	v8 =	vld.idx.msk [tilespmem:v9+s9+$0x0], $0xffff;
	_ =	sdelay $0x1  }
0x173: {  	v9 =	vor.u32 $0xC, v7;
	_ =	sdelay $0x3  }
0x174: {  	[tilespmem:s17+$0x120] =	vst v8  }
0x175: {  	v8 =	vld.idx.msk [tilespmem:v9+s9+$0x0], $0xffff;
	_ =	sdelay $0x1  }
0x176: {  	v9 =	vor.u32 $0xD, v4;
	_ =	sdelay $0x3  }
0x177: {  	[tilespmem:s17+$0x130] =	vst v8  }
0x178: {  	v8 =	vld.idx.msk [tilespmem:v9+s9+$0x0], $0xffff;
	_ =	sdelay $0x1  }
0x179: {  	v9 =	vor.u32 $0xD, v5;
	_ =	sdelay $0x3  }
0x17a: {  	[tilespmem:s17+$0x140] =	vst v8  }
0x17b: {  	v8 =	vld.idx.msk [tilespmem:v9+s9+$0x0], $0xffff;
	_ =	sdelay $0x1  }
0x17c: {  	v9 =	vor.u32 $0xD, v6;
	_ =	sdelay $0x3  }
0x17d: {  	[tilespmem:s17+$0x150] =	vst v8  }
0x17e: {  	v8 =	vld.idx.msk [tilespmem:v9+s9+$0x0], $0xffff;
	_ =	sdelay $0x1  }
0x17f: {  	v9 =	vor.u32 $0xD, v7;
	_ =	sdelay $0x3  }
0x180: {  	[tilespmem:s17+$0x160] =	vst v8  }
0x181: {  	v8 =	vld.idx.msk [tilespmem:v9+s9+$0x0], $0xffff;
	_ =	sdelay $0x1  }
0x182: {  	v9 =	vor.u32 $0xE, v4;
	_ =	sdelay $0x3  }
0x183: {  	[tilespmem:s17+$0x170] =	vst v8  }
0x184: {  	v8 =	vld.idx.msk [tilespmem:v9+s9+$0x0], $0xffff;
	_ =	sdelay $0x1  }
0x185: {  	v9 =	vor.u32 $0xE, v5;
	_ =	sdelay $0x3  }
0x186: {  	[tilespmem:s17+$0x180] =	vst v8  }
0x187: {  	v8 =	vld.idx.msk [tilespmem:v9+s9+$0x0], $0xffff;
	_ =	sdelay $0x1  }
0x188: {  	v9 =	vor.u32 $0xE, v6;
	_ =	sdelay $0x3  }
0x189: {  	[tilespmem:s17+$0x190] =	vst v8  }
0x18a: {  	v8 =	vld.idx.msk [tilespmem:v9+s9+$0x0], $0xffff;
	_ =	sdelay $0x1  }
0x18b: {  	v9 =	vor.u32 $0xE, v7;
	_ =	sdelay $0x3  }
0x18c: {  	[tilespmem:s17+$0x1A0] =	vst v8  }
0x18d: {  	v8 =	vld.idx.msk [tilespmem:v9+s9+$0x0], $0xffff;
	_ =	sdelay $0x1  }
0x18e: {  	v4 =	vor.u32 $0xF, v4;
	_ =	sdelay $0x3  }
0x18f: {  	[tilespmem:s17+$0x1B0] =	vst v8  }
0x190: {  	v4 =	vld.idx.msk [tilespmem:v4+s9+$0x0], $0xffff;
	_ =	sdelay $0x1  }
0x191: {  	v5 =	vor.u32 $0xF, v5;
	_ =	sdelay $0x3  }
0x192: {  	[tilespmem:s17+$0x1C0] =	vst v4  }
0x193: {  	v4 =	vld.idx.msk [tilespmem:v5+s9+$0x0], $0xffff;
	_ =	sdelay $0x1  }
0x194: {  	v5 =	vor.u32 $0xF, v6;
	_ =	sdelay $0x3  }
0x195: {  	[tilespmem:s17+$0x1D0] =	vst v4  }
0x196: {  	v4 =	vld.idx.msk [tilespmem:v5+s9+$0x0], $0xffff;
	_ =	sdelay $0x1  }
0x197: {  	v5 =	vor.u32 $0xF, v7  }
.Ltmp0:
0x198: {  	(pc) =	sbr.rel @p0 .LBB2_3-.Ltmp0, $3  }
0x199: {  	_ =	sdelay $0x1  }
0x19a: {  	[tilespmem:s17+$0x1E0] =	vst v4  }
0x19b: {  	v4 =	vmov s18;
	s18 =	sadd.s32 $0x1, s18;
	v5 =	vld.idx.msk [tilespmem:v5+s9+$0x0], $0xffff  }
0x19c: {  	v7 =	vshll.u32 v4, $0x4  }
0x19d: {  	v4 =	vadd.s32 v0, v7;
	_ =	sdelay $0x3  }
0x19e: {  	[tilespmem:s17+$0x1F0] =	vst v5  }
0x19f: {  	v6 =	vld.idx.msk [tilespmem:v4+s9+$0x0], $0xffff  }
0x1a0: {  	v5 =	vadd.s32 v3, v7;
	_ =	sdelay $0x2  }
0x1a1: {  	s30 =	sadd.s32 $0x400, s17  }
0x1a2: {  	[tilespmem:s30+$0xFFFFFE00] =	vst v6  }
0x1a3: {  	v8 =	vld.idx.msk [tilespmem:v5+s9+$0x0], $0xffff  }
0x1a4: {  	v6 =	vadd.s32 v2, v7;
	_ =	sdelay $0x3  }
0x1a5: {  	[tilespmem:s30+$0xFFFFFE10] =	vst v8  }
0x1a6: {  	v8 =	vld.idx.msk [tilespmem:v6+s9+$0x0], $0xffff  }
0x1a7: {  	v7 =	vadd.s32 v1, v7;
	_ =	sdelay $0x3  }
0x1a8: {  	[tilespmem:s30+$0xFFFFFE20] =	vst v8  }
0x1a9: {  	v8 =	vld.idx.msk [tilespmem:v7+s9+$0x0], $0xffff  }
0x1aa: {  	v9 =	vor.u32 $0x1, v4;
	_ =	sdelay $0x3  }
0x1ab: {  	[tilespmem:s30+$0xFFFFFE30] =	vst v8  }
0x1ac: {  	v8 =	vld.idx.msk [tilespmem:v9+s9+$0x0], $0xffff  }
0x1ad: {  	v61 =	vor.u32 $0x1, v5;
	_ =	sdelay $0x3  }
0x1ae: {  	[tilespmem:s30+$0xFFFFFE40] =	vst v8  }
0x1af: {  	v8 =	vld.idx.msk [tilespmem:v61+s9+$0x0], $0xffff  }
0x1b0: {  	v62 =	vor.u32 $0x1, v6;
	_ =	sdelay $0x3  }
0x1b1: {  	[tilespmem:s30+$0xFFFFFE50] =	vst v8  }
0x1b2: {  	v8 =	vld.idx.msk [tilespmem:v62+s9+$0x0], $0xffff  }
0x1b3: {  	v63 =	vor.u32 $0x1, v7;
	_ =	sdelay $0x3  }
0x1b4: {  	[tilespmem:s30+$0xFFFFFE60] =	vst v8  }
0x1b5: {  	v8 =	vld.idx.msk [tilespmem:v63+s9+$0x0], $0xffff  }
0x1b6: {  	v12 =	vor.u32 $0x2, v4;
	_ =	sdelay $0x3  }
0x1b7: {  	[tilespmem:s30+$0xFFFFFE70] =	vst v8  }
0x1b8: {  	v8 =	vld.idx.msk [tilespmem:v12+s9+$0x0], $0xffff  }
0x1b9: {  	v13 =	vor.u32 $0x2, v5;
	_ =	sdelay $0x3  }
0x1ba: {  	[tilespmem:s30+$0xFFFFFE80] =	vst v8  }
0x1bb: {  	v8 =	vld.idx.msk [tilespmem:v13+s9+$0x0], $0xffff  }
0x1bc: {  	v14 =	vor.u32 $0x2, v6;
	_ =	sdelay $0x3  }
0x1bd: {  	[tilespmem:s30+$0xFFFFFE90] =	vst v8  }
0x1be: {  	v8 =	vld.idx.msk [tilespmem:v14+s9+$0x0], $0xffff  }
0x1bf: {  	v15 =	vor.u32 $0x2, v7;
	_ =	sdelay $0x3  }
0x1c0: {  	[tilespmem:s30+$0xFFFFFEA0] =	vst v8  }
0x1c1: {  	v8 =	vld.idx.msk [tilespmem:v15+s9+$0x0], $0xffff  }
0x1c2: {  	v16 =	vor.u32 $0x3, v4;
	_ =	sdelay $0x3  }
0x1c3: {  	[tilespmem:s30+$0xFFFFFEB0] =	vst v8  }
0x1c4: {  	v8 =	vld.idx.msk [tilespmem:v16+s9+$0x0], $0xffff  }
0x1c5: {  	v17 =	vor.u32 $0x3, v5;
	_ =	sdelay $0x3  }
0x1c6: {  	[tilespmem:s30+$0xFFFFFEC0] =	vst v8  }
0x1c7: {  	v8 =	vld.idx.msk [tilespmem:v17+s9+$0x0], $0xffff  }
0x1c8: {  	v18 =	vor.u32 $0x3, v6;
	_ =	sdelay $0x3  }
0x1c9: {  	[tilespmem:s30+$0xFFFFFED0] =	vst v8  }
0x1ca: {  	v8 =	vld.idx.msk [tilespmem:v18+s9+$0x0], $0xffff  }
0x1cb: {  	v19 =	vor.u32 $0x3, v7;
	_ =	sdelay $0x3  }
0x1cc: {  	[tilespmem:s30+$0xFFFFFEE0] =	vst v8  }
0x1cd: {  	v8 =	vld.idx.msk [tilespmem:v19+s9+$0x0], $0xffff  }
0x1ce: {  	v20 =	vor.u32 $0x4, v4;
	_ =	sdelay $0x3  }
0x1cf: {  	[tilespmem:s30+$0xFFFFFEF0] =	vst v8  }
0x1d0: {  	v8 =	vld.idx.msk [tilespmem:v20+s9+$0x0], $0xffff  }
0x1d1: {  	v21 =	vor.u32 $0x4, v5;
	_ =	sdelay $0x3  }
0x1d2: {  	[tilespmem:s30+$0xFFFFFF00] =	vst v8  }
0x1d3: {  	v8 =	vld.idx.msk [tilespmem:v21+s9+$0x0], $0xffff  }
0x1d4: {  	v22 =	vor.u32 $0x4, v6;
	_ =	sdelay $0x3  }
0x1d5: {  	[tilespmem:s30+$0xFFFFFF10] =	vst v8  }
0x1d6: {  	v8 =	vld.idx.msk [tilespmem:v22+s9+$0x0], $0xffff  }
0x1d7: {  	v23 =	vor.u32 $0x4, v7;
	_ =	sdelay $0x3  }
0x1d8: {  	[tilespmem:s30+$0xFFFFFF20] =	vst v8  }
0x1d9: {  	v8 =	vld.idx.msk [tilespmem:v23+s9+$0x0], $0xffff  }
0x1da: {  	v24 =	vor.u32 $0x5, v4;
	_ =	sdelay $0x3  }
0x1db: {  	[tilespmem:s30+$0xFFFFFF30] =	vst v8  }
0x1dc: {  	v8 =	vld.idx.msk [tilespmem:v24+s9+$0x0], $0xffff  }
0x1dd: {  	v25 =	vor.u32 $0x5, v5;
	_ =	sdelay $0x3  }
0x1de: {  	[tilespmem:s30+$0xFFFFFF40] =	vst v8  }
0x1df: {  	v8 =	vld.idx.msk [tilespmem:v25+s9+$0x0], $0xffff  }
0x1e0: {  	v26 =	vor.u32 $0x5, v6;
	_ =	sdelay $0x3  }
0x1e1: {  	[tilespmem:s30+$0xFFFFFF50] =	vst v8  }
0x1e2: {  	v8 =	vld.idx.msk [tilespmem:v26+s9+$0x0], $0xffff  }
0x1e3: {  	v27 =	vor.u32 $0x5, v7;
	_ =	sdelay $0x3  }
0x1e4: {  	[tilespmem:s30+$0xFFFFFF60] =	vst v8  }
0x1e5: {  	v8 =	vld.idx.msk [tilespmem:v27+s9+$0x0], $0xffff  }
0x1e6: {  	v28 =	vor.u32 $0x6, v4;
	_ =	sdelay $0x3  }
0x1e7: {  	[tilespmem:s30+$0xFFFFFF70] =	vst v8  }
0x1e8: {  	v8 =	vld.idx.msk [tilespmem:v28+s9+$0x0], $0xffff  }
0x1e9: {  	v29 =	vor.u32 $0x6, v5;
	_ =	sdelay $0x3  }
0x1ea: {  	[tilespmem:s30+$0xFFFFFF80] =	vst v8  }
0x1eb: {  	v8 =	vld.idx.msk [tilespmem:v29+s9+$0x0], $0xffff  }
0x1ec: {  	v30 =	vor.u32 $0x6, v6;
	_ =	sdelay $0x3  }
0x1ed: {  	[tilespmem:s30+$0xFFFFFF90] =	vst v8  }
0x1ee: {  	v8 =	vld.idx.msk [tilespmem:v30+s9+$0x0], $0xffff  }
0x1ef: {  	v31 =	vor.u32 $0x6, v7;
	_ =	sdelay $0x3  }
0x1f0: {  	[tilespmem:s30+$0xFFFFFFA0] =	vst v8  }
0x1f1: {  	v8 =	vld.idx.msk [tilespmem:v31+s9+$0x0], $0xffff  }
0x1f2: {  	v32 =	vor.u32 $0x7, v4;
	_ =	sdelay $0x3  }
0x1f3: {  	[tilespmem:s30+$0xFFFFFFB0] =	vst v8  }
0x1f4: {  	v8 =	vld.idx.msk [tilespmem:v32+s9+$0x0], $0xffff  }
0x1f5: {  	v33 =	vor.u32 $0x7, v5;
	_ =	sdelay $0x3  }
0x1f6: {  	[tilespmem:s30+$0xFFFFFFC0] =	vst v8  }
0x1f7: {  	v8 =	vld.idx.msk [tilespmem:v33+s9+$0x0], $0xffff  }
0x1f8: {  	v34 =	vor.u32 $0x7, v6;
	_ =	sdelay $0x3  }
0x1f9: {  	[tilespmem:s30+$0xFFFFFFD0] =	vst v8  }
0x1fa: {  	v8 =	vld.idx.msk [tilespmem:v34+s9+$0x0], $0xffff  }
0x1fb: {  	v35 =	vor.u32 $0x7, v7;
	_ =	sdelay $0x3  }
0x1fc: {  	[tilespmem:s30+$0xFFFFFFE0] =	vst v8  }
0x1fd: {  	v8 =	vld.idx.msk [tilespmem:v35+s9+$0x0], $0xffff  }
0x1fe: {  	v36 =	vor.u32 $0x8, v4;
	_ =	sdelay $0x3  }
0x1ff: {  	[tilespmem:s30+$0xFFFFFFF0] =	vst v8  }
0x200: {  	v8 =	vld.idx.msk [tilespmem:v36+s9+$0x0], $0xffff  }
0x201: {  	v37 =	vor.u32 $0x8, v5;
	_ =	sdelay $0x3  }
0x202: {  	[tilespmem:s30+$0x0] =	vst v8  }
0x203: {  	v8 =	vld.idx.msk [tilespmem:v37+s9+$0x0], $0xffff  }
0x204: {  	v38 =	vor.u32 $0x8, v6;
	_ =	sdelay $0x3  }
0x205: {  	[tilespmem:s30+$0x10] =	vst v8  }
0x206: {  	v8 =	vld.idx.msk [tilespmem:v38+s9+$0x0], $0xffff  }
0x207: {  	v39 =	vor.u32 $0x8, v7;
	_ =	sdelay $0x3  }
0x208: {  	[tilespmem:s30+$0x20] =	vst v8  }
0x209: {  	v8 =	vld.idx.msk [tilespmem:v39+s9+$0x0], $0xffff  }
0x20a: {  	v40 =	vor.u32 $0x9, v4;
	_ =	sdelay $0x3  }
0x20b: {  	[tilespmem:s30+$0x30] =	vst v8  }
0x20c: {  	v8 =	vld.idx.msk [tilespmem:v40+s9+$0x0], $0xffff  }
0x20d: {  	v41 =	vor.u32 $0x9, v5;
	_ =	sdelay $0x3  }
0x20e: {  	[tilespmem:s30+$0x40] =	vst v8  }
0x20f: {  	v8 =	vld.idx.msk [tilespmem:v41+s9+$0x0], $0xffff  }
0x210: {  	v42 =	vor.u32 $0x9, v6;
	_ =	sdelay $0x3  }
0x211: {  	[tilespmem:s30+$0x50] =	vst v8  }
0x212: {  	v8 =	vld.idx.msk [tilespmem:v42+s9+$0x0], $0xffff  }
0x213: {  	v43 =	vor.u32 $0x9, v7;
	_ =	sdelay $0x3  }
0x214: {  	[tilespmem:s30+$0x60] =	vst v8  }
0x215: {  	v8 =	vld.idx.msk [tilespmem:v43+s9+$0x0], $0xffff  }
0x216: {  	v44 =	vor.u32 $0xA, v4;
	_ =	sdelay $0x3  }
0x217: {  	[tilespmem:s30+$0x70] =	vst v8  }
0x218: {  	v8 =	vld.idx.msk [tilespmem:v44+s9+$0x0], $0xffff  }
0x219: {  	v45 =	vor.u32 $0xA, v5;
	_ =	sdelay $0x3  }
0x21a: {  	[tilespmem:s30+$0x80] =	vst v8  }
0x21b: {  	v8 =	vld.idx.msk [tilespmem:v45+s9+$0x0], $0xffff  }
0x21c: {  	v46 =	vor.u32 $0xA, v6;
	_ =	sdelay $0x3  }
0x21d: {  	[tilespmem:s30+$0x90] =	vst v8  }
0x21e: {  	v8 =	vld.idx.msk [tilespmem:v46+s9+$0x0], $0xffff  }
0x21f: {  	v47 =	vor.u32 $0xA, v7;
	_ =	sdelay $0x3  }
0x220: {  	[tilespmem:s30+$0xA0] =	vst v8  }
0x221: {  	v8 =	vld.idx.msk [tilespmem:v47+s9+$0x0], $0xffff  }
0x222: {  	v48 =	vor.u32 $0xB, v4;
	_ =	sdelay $0x3  }
0x223: {  	[tilespmem:s30+$0xB0] =	vst v8  }
0x224: {  	v8 =	vld.idx.msk [tilespmem:v48+s9+$0x0], $0xffff  }
0x225: {  	v49 =	vor.u32 $0xB, v5;
	_ =	sdelay $0x3  }
0x226: {  	[tilespmem:s30+$0xC0] =	vst v8  }
0x227: {  	v8 =	vld.idx.msk [tilespmem:v49+s9+$0x0], $0xffff  }
0x228: {  	v50 =	vor.u32 $0xB, v6;
	_ =	sdelay $0x3  }
0x229: {  	[tilespmem:s30+$0xD0] =	vst v8  }
0x22a: {  	v8 =	vld.idx.msk [tilespmem:v50+s9+$0x0], $0xffff  }
0x22b: {  	v51 =	vor.u32 $0xB, v7;
	_ =	sdelay $0x3  }
0x22c: {  	[tilespmem:s30+$0xE0] =	vst v8  }
0x22d: {  	v8 =	vld.idx.msk [tilespmem:v51+s9+$0x0], $0xffff  }
0x22e: {  	v52 =	vor.u32 $0xC, v4;
	_ =	sdelay $0x3  }
0x22f: {  	[tilespmem:s30+$0xF0] =	vst v8  }
0x230: {  	v8 =	vld.idx.msk [tilespmem:v52+s9+$0x0], $0xffff  }
0x231: {  	v53 =	vor.u32 $0xC, v5;
	_ =	sdelay $0x3  }
0x232: {  	[tilespmem:s30+$0x100] =	vst v8  }
0x233: {  	v8 =	vld.idx.msk [tilespmem:v53+s9+$0x0], $0xffff  }
0x234: {  	v54 =	vor.u32 $0xC, v6;
	_ =	sdelay $0x3  }
0x235: {  	[tilespmem:s30+$0x110] =	vst v8  }
0x236: {  	v8 =	vld.idx.msk [tilespmem:v54+s9+$0x0], $0xffff  }
0x237: {  	v55 =	vor.u32 $0xC, v7;
	_ =	sdelay $0x3  }
0x238: {  	[tilespmem:s30+$0x120] =	vst v8  }
0x239: {  	v8 =	vld.idx.msk [tilespmem:v55+s9+$0x0], $0xffff  }
0x23a: {  	v56 =	vor.u32 $0xD, v4;
	_ =	sdelay $0x3  }
0x23b: {  	[tilespmem:s30+$0x130] =	vst v8  }
0x23c: {  	v8 =	vld.idx.msk [tilespmem:v56+s9+$0x0], $0xffff  }
0x23d: {  	v57 =	vor.u32 $0xD, v5;
	_ =	sdelay $0x3  }
0x23e: {  	[tilespmem:s30+$0x140] =	vst v8  }
0x23f: {  	v8 =	vld.idx.msk [tilespmem:v57+s9+$0x0], $0xffff  }
0x240: {  	v58 =	vor.u32 $0xD, v6;
	_ =	sdelay $0x3  }
0x241: {  	[tilespmem:s30+$0x150] =	vst v8  }
0x242: {  	v8 =	vld.idx.msk [tilespmem:v58+s9+$0x0], $0xffff  }
0x243: {  	v59 =	vor.u32 $0xD, v7;
	_ =	sdelay $0x3  }
0x244: {  	[tilespmem:s30+$0x160] =	vst v8  }
0x245: {  	v8 =	vld.idx.msk [tilespmem:v59+s9+$0x0], $0xffff  }
0x246: {  	v60 =	vor.u32 $0xE, v4;
	_ =	sdelay $0x3  }
0x247: {  	[tilespmem:s30+$0x170] =	vst v8  }
0x248: {  	v8 =	vld.idx.msk [tilespmem:v60+s9+$0x0], $0xffff  }
0x249: {  	v61 =	vor.u32 $0xE, v5;
	_ =	sdelay $0x3  }
0x24a: {  	[tilespmem:s30+$0x180] =	vst v8  }
0x24b: {  	v8 =	vld.idx.msk [tilespmem:v61+s9+$0x0], $0xffff  }
0x24c: {  	v62 =	vor.u32 $0xE, v6;
	_ =	sdelay $0x3  }
0x24d: {  	[tilespmem:s30+$0x190] =	vst v8  }
0x24e: {  	v8 =	vld.idx.msk [tilespmem:v62+s9+$0x0], $0xffff  }
0x24f: {  	v63 =	vor.u32 $0xE, v7;
	_ =	sdelay $0x3  }
0x250: {  	[tilespmem:s30+$0x1A0] =	vst v8  }
0x251: {  	v8 =	vld.idx.msk [tilespmem:v63+s9+$0x0], $0xffff  }
0x252: {  	v4 =	vor.u32 $0xF, v4;
	_ =	sdelay $0x3  }
0x253: {  	[tilespmem:s30+$0x1B0] =	vst v8  }
0x254: {  	v4 =	vld.idx.msk [tilespmem:v4+s9+$0x0], $0xffff  }
0x255: {  	v5 =	vor.u32 $0xF, v5;
	_ =	sdelay $0x3  }
0x256: {  	[tilespmem:s30+$0x1C0] =	vst v4  }
0x257: {  	v4 =	vld.idx.msk [tilespmem:v5+s9+$0x0], $0xffff  }
0x258: {  	v5 =	vor.u32 $0xF, v6;
	_ =	sdelay $0x3  }
0x259: {  	[tilespmem:s30+$0x1D0] =	vst v4  }
0x25a: {  	v4 =	vld.idx.msk [tilespmem:v5+s9+$0x0], $0xffff  }
0x25b: {  	v5 =	vor.u32 $0xF, v7;
	_ =	sdelay $0x3  }
0x25c: {  	[tilespmem:s30+$0x1E0] =	vst v4  }
0x25d: {  	v4 =	vld.idx.msk [tilespmem:v5+s9+$0x0], $0xffff;
	_ =	sdelay $0x2  }
0x25e: {  	s15 =	sshll.u32 s15, $0x3  }
0x25f: {  	s16 =	sshll.u32 s16, $0x7;
	s15 =	sadd.s32 s5, s15  }
0x260: {  	s31 =	simm.s32 $0xE100;
	s15 =	sadd.s32 s16, s15;
	s16 =	simm.s32 $0x800;
	[tilespmem:s30+$0x1F0] =	vst v4  }
0x261: {  	[hbm4b:s15+s11] =	stream.strided.scatter [tilespmem:s31], [sflag:$0x2], $0x200, s12, s11, $0x38;
	[tilespmem:$0x1A900] =	vst v63  }
.LBB2_5:
0x262: {  	p0 =	sne.s32 s16, $0x31800  }
.Ltmp1:
0x263: {  	_ = 	snop;
	(pc) =	sbr.rel @p0 .LBB2_5-.Ltmp1, $4  }
0x264: {  	_ = 	snop  }
0x265: {  	s17 =	sshra.s32 s16, $0x2;
	s16 =	sadd.s32 $0x800, s16  }
0x266: {  	s15 =	sadd.s32 $0x4000, s15;
	s17 =	sadd.s32 $0xE100, s17  }
0x267: {  	[hbm4b:s15+s11] =	stream.strided.scatter [tilespmem:s17], [sflag:$0x2], $0x200, s12, s11, $0x38;
	[tilespmem:$0x1A900] =	vst v63  }
0x268: {  	s14 =	sadd.s32 $0x1, s14  }
0x269: {  	p0 =	sne.s32 s14, $0x8  }
.Ltmp2:
0x26a: {  	_ = 	snop;
	(pc) =	sbr.rel @p0 .LBB2_2-.Ltmp2, $4  }
0x26b: {  	_ = 	snop  }
0x26c: {  	_ =	swait.ge [sflag:s13], $0xC800  }
0x26d: {  	[sflag:s13] =	ssyncset.done $0x0  }
0x26e: {  	[sflag:s13] =	ssyncadd.s32 $0xFFFF3800  }
0x26f: {  	s2 =	sadd.s32 $0x1, s2  }
0x270: {  	p0 =	sne.s32 s2, s7  }
.Ltmp3:
0x271: {  	_ = 	snop;
	(pc) =	sbr.rel @p0 .LBB2_1-.Ltmp3, $1  }
0x272: {  	_ =	sdelay $0x3  }
0x273: {  	_ =	sfence.sel $0x180000  }
0x274: {  	[bflag:$0x0] =	sbarrier.arrive $0xFFFF  }
0x275: {  	p0 =	sne.s32 s3, $0x0;
	_ =	strace $0x90000047  }
0x276: {  	s0 =	sadd.s32 @!p0 $0x100000, s0;
	[bflag:$0x2] =	sbarrier.arrive $0xFFFF  }
0x277: {  	[sflag:s0] =	ssyncadd.tile.s32 @!p0 $0x1;
	_ =	shalt  }
.Lfunc_end2:
_tile_overlayer_lowered:
.L_overlay_start_2:
0x278: {  	(tag) =	ssettag $0x2  }
0x279: {  	s0 =	rddreg [dreg:$0x0];
	s2 =	stileid.u32  }
0x27a: {  	s1 =	rddreg [dreg:$0x1];
	p0 =	sne.s32 s2, $0x0  }
0x27b: {  	s3 =	rddreg [dreg:$0x2];
	[bflag:$0x3] =	sbarrier.arrive $0xFFFF;
	s2 =	simm.s32 @!p0 $0x1C02  }
0x27c: {  	[timem:s3], [sflag:s2] =	dma.local @!p0 [hbm:s0], s1  }
0x27d: {  	s0 =	simm.s32 @!p0 $0x2  }
0x27e: {  	_ =	swait.ge @!p0 [sflag:s0], s1  }
0x27f: {  	s1 =	ssub.s32 @!p0 $0x0, s1;
	[sflag:s0] =	ssyncset.done @!p0 $0x0  }
0x280: {  	[sflag:s0] =	ssyncadd.s32 @!p0 s1  }
0x281: {  	[bflag:$0x3] =	sbarrier.arrive $0xFFFF  }
0x282: {  	_ =	shalt  }

</sc_bundles>
